<compile_context>
chip_gen: v7x
topology: tpu7x:2x2x1
jax: 0.10.2.dev20260603
libtpu: 0.0.44.dev20260713+nightly
codegen_flags: <defaults>
</compile_context>

<pallas_src>
import functools

import jax
import jax.numpy as jnp
from jax import lax
from jax.experimental import pallas as pl
from jax.experimental.pallas import tpu as pltpu
from jax.experimental.pallas import tpu_sc as plsc

PAD_IDX = 0
D = 64
B, L = 1024, 200
N = B * L
NH = N // 2
VOCAB2 = 500000
NC, NS = 2, 16
NW = NC * NS
CH = 128
ROWS_PER_W = NH // NW
NCH = ROWS_PER_W // CH
NCH_PAD = 32
NROW = N // 128
NROW_H = NH // 128
GB = 80
GRID_H = NROW_H // GB


def _sc_gather_pairs(table2, ids_w):
    mesh = plsc.VectorSubcoreMesh(core_axis_name="c", subcore_axis_name="s")

    @functools.partial(
        pl.kernel,
        mesh=mesh,
        out_type=jax.ShapeDtypeStruct((NH, 2 * D), jnp.float32),
        scratch_types=[
            pltpu.VMEM((NCH_PAD, CH), jnp.int32),
            pltpu.VMEM((CH, 2 * D), jnp.float32),
            pltpu.VMEM((CH, 2 * D), jnp.float32),
            pltpu.SemaphoreType.DMA,
            pltpu.SemaphoreType.DMA,
        ],
    )
    def k(ids_hbm, table_hbm, out_hbm, idx_v, buf0, buf1, sem0, sem1):
        wid = lax.axis_index("s") * NC + lax.axis_index("c")
        base = wid * ROWS_PER_W
        pltpu.sync_copy(ids_hbm.at[wid], idx_v)
        pltpu.async_copy(table_hbm.at[idx_v.at[0]], buf0, sem0)

        def body(j0, carry):
            j = 2 * j0
            pltpu.async_copy(table_hbm.at[idx_v.at[j + 1]], buf1, sem1)
            pltpu.make_async_copy(table_hbm.at[idx_v.at[j]], buf0, sem0).wait()
            pltpu.sync_copy(buf0, out_hbm.at[pl.ds(base + j * CH, CH)])

            @pl.when(2 * j0 + 2 < NCH)
            def _():
                pltpu.async_copy(table_hbm.at[idx_v.at[j + 2]], buf0, sem0)

            pltpu.make_async_copy(
                table_hbm.at[idx_v.at[j + 1]], buf1, sem1).wait()
            pltpu.sync_copy(buf1, out_hbm.at[pl.ds(base + (j + 1) * CH, CH)])
            return carry

        lax.fori_loop(0, NCH // 2, body, 0)
        if NCH % 2:
            j_last = NCH - 1
            pltpu.make_async_copy(
                table_hbm.at[idx_v.at[j_last]], buf0, sem0).wait()
            pltpu.sync_copy(buf0, out_hbm.at[pl.ds(base + j_last * CH, CH)])

    return k(ids_w, table2)


def _tc_body(p_ref, v1_ref, v2_ref, h_ref, s_ref, r_ref, o_ref):
    pv = p_ref[...]
    lane = lax.broadcasted_iota(jnp.int32, (GB, 128, 2 * D), 2)
    h3 = h_ref[...][..., None]
    hm = jnp.where(lane < D, 1.0 - h3, h3)
    a1 = (pv * (hm * v1_ref[...][..., None])).reshape(GB * 128, 2 * D)
    a2 = (pv * (hm * v2_ref[...][..., None])).reshape(GB * 128, 2 * D)
    raw = lax.dot_general(
        a1, s_ref[...], (((1,), (0,)), ((), ())),
        preferred_element_type=jnp.float32)
    tr = lax.dot_general(
        a2, r_ref[...], (((1,), (0,)), ((), ())),
        preferred_element_type=jnp.float32)
    o_ref[...] = (raw + tr).reshape(GB, 128, D)


_HALF_SPECS = [
    pl.BlockSpec((GB, 128, 2 * D), lambda i: (i, 0, 0)),
    pl.BlockSpec((GB, 128), lambda i: (i, 0)),
    pl.BlockSpec((GB, 128), lambda i: (i, 0)),
    pl.BlockSpec((GB, 128), lambda i: (i, 0)),
    pl.BlockSpec((2 * D, D), lambda i: (0, 0)),
    pl.BlockSpec((2 * D, D), lambda i: (0, 0)),
]


def _tc_transform_first(p3, v1, v2, h, s_mat, r2):
    return pl.pallas_call(
        _tc_body,
        grid=(GRID_H,),
        in_specs=_HALF_SPECS,
        out_specs=pl.BlockSpec((GB, 128, D), lambda i: (i, 0, 0)),
        out_shape=jax.ShapeDtypeStruct((NROW, 128, D), jnp.float32),
    )(p3, v1, v2, h, s_mat, r2)


def _tc_transform_second(base, p3, v1, v2, h, s_mat, r2):

    def body(base_ref, p_ref, v1_ref, v2_ref, h_ref, s_ref, r_ref, o_ref):
        del base_ref
        _tc_body(p_ref, v1_ref, v2_ref, h_ref, s_ref, r_ref, o_ref)

    return pl.pallas_call(
        body,
        grid=(GRID_H,),
        in_specs=[pl.BlockSpec((8, 128, D), lambda i: (0, 0, 0))] + _HALF_SPECS,
        out_specs=pl.BlockSpec((GB, 128, D), lambda i: (i + GRID_H, 0, 0)),
        out_shape=jax.ShapeDtypeStruct((NROW, 128, D), jnp.float32),
        input_output_aliases={0: 0},
    )(base, p3, v1, v2, h, s_mat, r2)


def kernel(input_ids, role_mask, table, R):
    ids_flat = input_ids.reshape(N).astype(jnp.int32)
    t2 = table.reshape(VOCAB2, 2 * D)

    half = (ids_flat & 1).astype(jnp.float32).reshape(NROW, 128)
    sel = (role_mask.reshape(NROW, 128) == 1).astype(jnp.float32)
    valid = (ids_flat.reshape(NROW, 128) != PAD_IDX).astype(jnp.float32)
    v1 = valid * (1.0 - sel)
    v2 = valid * sel
    eye = jnp.eye(D, dtype=jnp.float32)
    s_mat = jnp.concatenate([eye, eye], axis=0)
    r2 = jnp.concatenate([R.T, R.T], axis=0)

    pidx = (ids_flat >> 1).reshape(2, NW, NCH, CH)
    pads = ((0, 0), (0, NCH_PAD - NCH), (0, 0))
    pairs_a = _sc_gather_pairs(t2, jnp.pad(pidx[0], pads))
    pairs_b = _sc_gather_pairs(t2, jnp.pad(pidx[1], pads))

    out0 = _tc_transform_first(
        pairs_a.reshape(NROW_H, 128, 2 * D),
        v1[:NROW_H], v2[:NROW_H], half[:NROW_H], s_mat, r2)
    out = _tc_transform_second(
        out0,
        pairs_b.reshape(NROW_H, 128, 2 * D),
        v1[NROW_H:], v2[NROW_H:], half[NROW_H:], s_mat, r2)
    return out.reshape(B, L, D)

# --- scband reference (transcript-rebuilt; emitter-appended) ---
"""Pipeline reference for scband-legacy-role-sensitive-embedding-28621662060562 (READ-ONLY COPY).

The authoritative reference and input builder live on the scoring server;
editing this copy changes nothing except your own understanding.
"""

import jax, jax.numpy as jnp
import numpy as np

VOCAB = 1000000
D_MODEL = 64
PAD_IDX = 0
B, L = 1024, 200

def setup_inputs(seed: int = 0) -> dict:
    key = jax.random.key(seed)
    k1, k2, k3, k4 = jax.random.split(key, 4)
    input_ids = jax.random.randint(k1, (B, L), 0, VOCAB, dtype=jnp.int64 if jax.config.read('jax_enable_x64') else jnp.int32)
    role_mask = jax.random.randint(k2, (B, L), 0, 2, dtype=jnp.int32)
    table = jax.random.normal(k3, (VOCAB, D_MODEL), dtype=jnp.float32)
    R = jax.random.normal(k4, (D_MODEL, D_MODEL), dtype=jnp.float32)
    return {"input_ids": input_ids, "role_mask": role_mask, "table": table, "R": R}

def reference(input_ids, role_mask, table, R):
    # nn.Embedding with padding_idx: row PAD_IDX is a zero vector
    table_eff = table.at[PAD_IDX].set(0.0)
    x = jnp.take(table_eff, input_ids, axis=0)  # (B, L, d)
    agent_mask = (role_mask == 1)[..., None]     # (B, L, 1)
    transformed = jnp.matmul(x, R.T)             # (B, L, d)
    out = jnp.where(agent_mask, transformed, x)
    return out

if __name__ == "__main__":
    import jax
    _d = setup_inputs()
    print(jax.jit(kernel)(*tuple(_d.values())))

</pallas_src>

<mosaic_0001>
#map = affine_map<(d0, d1) -> (0, 0, 0)>
#map1 = affine_map<(d0, d1) -> (0, 0)>
module attributes {stable_mosaic.version = 14 : i64} {
  func.func @k(%arg0: i32, %arg1: i32, %arg2: memref<32x32x128xi32, #tpu.memory_space<hbm>>, %arg3: memref<500000x128xf32, #tpu.memory_space<hbm>>, %arg4: memref<102400x128xf32, #tpu.memory_space<hbm>>, %arg5: memref<32x128xi32, #tpu.memory_space<vmem>>, %arg6: memref<128x128xf32, #tpu.memory_space<vmem>>, %arg7: memref<128x128xf32, #tpu.memory_space<vmem>>, %arg8: memref<!tpu.dma_semaphore, #tpu.memory_space<semaphore_mem>>, %arg9: memref<!tpu.dma_semaphore, #tpu.memory_space<semaphore_mem>>) attributes {dimension_semantics = [#tpu.dimension_semantics<core_parallel>, #tpu.dimension_semantics<subcore_parallel>], iteration_bounds = array<i64: 2, 16>, scalar_prefetch = 0 : i64, scratch_operands = 5 : i64, tpu.core_type = #tpu.core_type<sc_vector_subcore>, window_params = [{transform_indices = #map}, {transform_indices = #map1}, {transform_indices = #map1}]} {
    %mul3A = arith.constant 2 : i32
    %mul3A_0 = arith.muli %arg1, %mul3A : i32
    %add3A = arith.addi %mul3A_0, %arg0 : i32
    %mul3A_1 = arith.constant 3200 : i32
    %mul3A_2 = arith.muli %add3A, %mul3A_1 : i32
    "tpu.region"() ({
      %run_scoped3A = tpu.sem_alloc : memref<!tpu.dma_semaphore, #tpu.memory_space<semaphore_mem>>
      %dma_start3A_22 = arith.constant 0 : i32
      %dma_start3A_23 = arith.constant 0 : i32
      %dma_start3A_24 = tpu.memref_slice %arg2[%add3A, %dma_start3A_22, %dma_start3A_23] : memref<32x32x128xi32, #tpu.memory_space<hbm>> -> memref<1x32x128xi32, #tpu.memory_space<hbm>>
      %dma_start3A_25 = tpu.memref_squeeze %dma_start3A_24 : memref<1x32x128xi32, #tpu.memory_space<hbm>> -> memref<32x128xi32, #tpu.memory_space<hbm>>
      %dma_start3A_26 = arith.constant 0 : i32
      %dma_start3A_27 = arith.constant 0 : i32
      %dma_start3A_28 = tpu.memref_slice %arg2[%add3A, %dma_start3A_26, %dma_start3A_27] : memref<32x32x128xi32, #tpu.memory_space<hbm>> -> memref<1x32x128xi32, #tpu.memory_space<hbm>>
      %dma_start3A_29 = tpu.memref_squeeze %dma_start3A_28 : memref<1x32x128xi32, #tpu.memory_space<hbm>> -> memref<32x128xi32, #tpu.memory_space<hbm>>
      tpu.enqueue_dma source(%dma_start3A_29 : memref<32x128xi32, #tpu.memory_space<hbm>>) target(%arg5 : memref<32x128xi32, #tpu.memory_space<vmem>>) target_semaphore(%run_scoped3A : memref<!tpu.dma_semaphore, #tpu.memory_space<semaphore_mem>>)
      %dma_wait3A_30 = arith.constant 0 : i32
      %dma_wait3A_31 = arith.constant 0 : i32
      %dma_wait3A_32 = tpu.memref_slice %arg2[%add3A, %dma_wait3A_30, %dma_wait3A_31] : memref<32x32x128xi32, #tpu.memory_space<hbm>> -> memref<1x32x128xi32, #tpu.memory_space<hbm>>
      %dma_wait3A_33 = tpu.memref_squeeze %dma_wait3A_32 : memref<1x32x128xi32, #tpu.memory_space<hbm>> -> memref<32x128xi32, #tpu.memory_space<hbm>>
      %dma_wait3A_34 = arith.constant 0 : i32
      %dma_wait3A_35 = arith.constant 0 : i32
      %dma_wait3A_36 = tpu.memref_slice %arg2[%add3A, %dma_wait3A_34, %dma_wait3A_35] : memref<32x32x128xi32, #tpu.memory_space<hbm>> -> memref<1x32x128xi32, #tpu.memory_space<hbm>>
      %dma_wait3A_37 = tpu.memref_squeeze %dma_wait3A_36 : memref<1x32x128xi32, #tpu.memory_space<hbm>> -> memref<32x128xi32, #tpu.memory_space<hbm>>
      tpu.wait_dma2 semaphore(%run_scoped3A : memref<!tpu.dma_semaphore, #tpu.memory_space<semaphore_mem>>) src(%dma_wait3A_37 : memref<32x128xi32, #tpu.memory_space<hbm>>) dst(%arg5 : memref<32x128xi32, #tpu.memory_space<vmem>>)
      tpu.yield
    }) : () -> ()
    %dma_start3A = arith.constant 0 : i32
    %dma_start3A_3 = arith.constant 0 : i32
    %dma_start3A_4 = tpu.memref_slice %arg5[%dma_start3A, %dma_start3A_3] : memref<32x128xi32, #tpu.memory_space<vmem>> -> memref<1x128xi32, #tpu.memory_space<vmem>>
    %dma_start3A_5 = tpu.memref_squeeze %dma_start3A_4 : memref<1x128xi32, #tpu.memory_space<vmem>> -> memref<128xi32, #tpu.memory_space<vmem>>
    %dma_start3A_6 = arith.constant 0 : i32
    %dma_start3A_7 = arith.constant 0 : i32
    %dma_start3A_8 = tpu.memref_slice %arg3[%dma_start3A_6, %dma_start3A_7] : memref<500000x128xf32, #tpu.memory_space<hbm>> -> memref<500000x128xf32, #tpu.memory_space<hbm>>
    tpu.enqueue_indirect_dma source(%dma_start3A_8 : memref<500000x128xf32, #tpu.memory_space<hbm>>) target(%arg6 : memref<128x128xf32, #tpu.memory_space<vmem>>) offsets(%dma_start3A_5 : memref<128xi32, #tpu.memory_space<vmem>>) semaphore(%arg8 : memref<!tpu.dma_semaphore, #tpu.memory_space<semaphore_mem>>)
    %scan3A = arith.constant 0 : i32
    %scan3A_9 = arith.constant 0 : i32
    %scan3A_10 = arith.constant 12 : i32
    %scan3A_11 = arith.addi %scan3A_9, %scan3A_10 : i32
    %scan3A_12 = arith.constant 1 : i32
    scf.for %scan3A_22 = %scan3A_9 to %scan3A_11 step %scan3A_12  : i32 {
      %mul3A_23 = arith.constant 2 : i32
      %mul3A_24 = arith.muli %mul3A_23, %scan3A_22 : i32
      %add3A_25 = arith.constant 1 : i32
      %add3A_26 = arith.addi %mul3A_24, %add3A_25 : i32
      %dma_start3A_27 = arith.constant 0 : i32
      %dma_start3A_28 = tpu.memref_slice %arg5[%add3A_26, %dma_start3A_27] : memref<32x128xi32, #tpu.memory_space<vmem>> -> memref<1x128xi32, #tpu.memory_space<vmem>>
      %dma_start3A_29 = tpu.memref_squeeze %dma_start3A_28 : memref<1x128xi32, #tpu.memory_space<vmem>> -> memref<128xi32, #tpu.memory_space<vmem>>
      %dma_start3A_30 = arith.constant 0 : i32
      %dma_start3A_31 = arith.constant 0 : i32
      %dma_start3A_32 = tpu.memref_slice %arg3[%dma_start3A_30, %dma_start3A_31] : memref<500000x128xf32, #tpu.memory_space<hbm>> -> memref<500000x128xf32, #tpu.memory_space<hbm>>
      tpu.enqueue_indirect_dma source(%dma_start3A_32 : memref<500000x128xf32, #tpu.memory_space<hbm>>) target(%arg7 : memref<128x128xf32, #tpu.memory_space<vmem>>) offsets(%dma_start3A_29 : memref<128xi32, #tpu.memory_space<vmem>>) semaphore(%arg9 : memref<!tpu.dma_semaphore, #tpu.memory_space<semaphore_mem>>)
      %dma_wait3A_33 = arith.constant 0 : i32
      %dma_wait3A_34 = tpu.memref_slice %arg5[%mul3A_24, %dma_wait3A_33] : memref<32x128xi32, #tpu.memory_space<vmem>> -> memref<1x128xi32, #tpu.memory_space<vmem>>
      %dma_wait3A_35 = tpu.memref_squeeze %dma_wait3A_34 : memref<1x128xi32, #tpu.memory_space<vmem>> -> memref<128xi32, #tpu.memory_space<vmem>>
      %dma_wait3A_36 = arith.constant 0 : i32
      %dma_wait3A_37 = arith.constant 0 : i32
      %dma_wait3A_38 = tpu.memref_slice %arg3[%dma_wait3A_36, %dma_wait3A_37] : memref<500000x128xf32, #tpu.memory_space<hbm>> -> memref<500000x128xf32, #tpu.memory_space<hbm>>
      tpu.wait_indirect_dma semaphore(%arg8 : memref<!tpu.dma_semaphore, #tpu.memory_space<semaphore_mem>>) src(%dma_wait3A_38 : memref<500000x128xf32, #tpu.memory_space<hbm>>) dst(%arg6 : memref<128x128xf32, #tpu.memory_space<vmem>>)
      %mul3A_39 = arith.constant 128 : i32
      %mul3A_40 = arith.muli %mul3A_24, %mul3A_39 : i32
      %add3A_41 = arith.addi %mul3A_2, %mul3A_40 : i32
      "tpu.region"() ({
        %run_scoped3A = tpu.sem_alloc : memref<!tpu.dma_semaphore, #tpu.memory_space<semaphore_mem>>
        %dma_start3A_61 = arith.constant 0 : i32
        %dma_start3A_62 = tpu.memref_slice %arg4[%add3A_41, %dma_start3A_61] : memref<102400x128xf32, #tpu.memory_space<hbm>> -> memref<128x128xf32, #tpu.memory_space<hbm>>
        %dma_start3A_63 = arith.constant 0 : i32
        %dma_start3A_64 = tpu.memref_slice %arg4[%add3A_41, %dma_start3A_63] : memref<102400x128xf32, #tpu.memory_space<hbm>> -> memref<128x128xf32, #tpu.memory_space<hbm>>
        tpu.enqueue_dma source(%arg6 : memref<128x128xf32, #tpu.memory_space<vmem>>) target(%dma_start3A_64 : memref<128x128xf32, #tpu.memory_space<hbm>>) target_semaphore(%run_scoped3A : memref<!tpu.dma_semaphore, #tpu.memory_space<semaphore_mem>>)
        %dma_wait3A_65 = arith.constant 0 : i32
        %dma_wait3A_66 = tpu.memref_slice %arg4[%add3A_41, %dma_wait3A_65] : memref<102400x128xf32, #tpu.memory_space<hbm>> -> memref<128x128xf32, #tpu.memory_space<hbm>>
        %dma_wait3A_67 = arith.constant 0 : i32
        %dma_wait3A_68 = tpu.memref_slice %arg4[%add3A_41, %dma_wait3A_67] : memref<102400x128xf32, #tpu.memory_space<hbm>> -> memref<128x128xf32, #tpu.memory_space<hbm>>
        tpu.wait_dma2 semaphore(%run_scoped3A : memref<!tpu.dma_semaphore, #tpu.memory_space<semaphore_mem>>) src(%arg6 : memref<128x128xf32, #tpu.memory_space<vmem>>) dst(%dma_wait3A_68 : memref<128x128xf32, #tpu.memory_space<hbm>>)
        tpu.yield
      }) : () -> ()
      %mul3A_42 = arith.constant 2 : i32
      %mul3A_43 = arith.muli %mul3A_42, %scan3A_22 : i32
      %add3A_44 = arith.constant 2 : i32
      %add3A_45 = arith.addi %mul3A_43, %add3A_44 : i32
      %lt3A = arith.constant 25 : i32
      %lt3A_46 = arith.cmpi slt, %add3A_45, %lt3A : i32
      %convert_element_type3A = arith.extui %lt3A_46 : i1 to i32
      %cond3A = arith.constant 0 : i32
      %cond3A_47 = arith.cmpi ne, %convert_element_type3A, %cond3A : i32
      scf.if %cond3A_47 {
        %add3A_61 = arith.constant 2 : i32
        %add3A_62 = arith.addi %mul3A_24, %add3A_61 : i32
        %dma_start3A_63 = arith.constant 0 : i32
        %dma_start3A_64 = tpu.memref_slice %arg5[%add3A_62, %dma_start3A_63] : memref<32x128xi32, #tpu.memory_space<vmem>> -> memref<1x128xi32, #tpu.memory_space<vmem>>
        %dma_start3A_65 = tpu.memref_squeeze %dma_start3A_64 : memref<1x128xi32, #tpu.memory_space<vmem>> -> memref<128xi32, #tpu.memory_space<vmem>>
        %dma_start3A_66 = arith.constant 0 : i32
        %dma_start3A_67 = arith.constant 0 : i32
        %dma_start3A_68 = tpu.memref_slice %arg3[%dma_start3A_66, %dma_start3A_67] : memref<500000x128xf32, #tpu.memory_space<hbm>> -> memref<500000x128xf32, #tpu.memory_space<hbm>>
        tpu.enqueue_indirect_dma source(%dma_start3A_68 : memref<500000x128xf32, #tpu.memory_space<hbm>>) target(%arg6 : memref<128x128xf32, #tpu.memory_space<vmem>>) offsets(%dma_start3A_65 : memref<128xi32, #tpu.memory_space<vmem>>) semaphore(%arg8 : memref<!tpu.dma_semaphore, #tpu.memory_space<semaphore_mem>>)
      } else {
      }
      %add3A_48 = arith.constant 1 : i32
      %add3A_49 = arith.addi %mul3A_24, %add3A_48 : i32
      %dma_wait3A_50 = arith.constant 0 : i32
      %dma_wait3A_51 = tpu.memref_slice %arg5[%add3A_49, %dma_wait3A_50] : memref<32x128xi32, #tpu.memory_space<vmem>> -> memref<1x128xi32, #tpu.memory_space<vmem>>
      %dma_wait3A_52 = tpu.memref_squeeze %dma_wait3A_51 : memref<1x128xi32, #tpu.memory_space<vmem>> -> memref<128xi32, #tpu.memory_space<vmem>>
      %dma_wait3A_53 = arith.constant 0 : i32
      %dma_wait3A_54 = arith.constant 0 : i32
      %dma_wait3A_55 = tpu.memref_slice %arg3[%dma_wait3A_53, %dma_wait3A_54] : memref<500000x128xf32, #tpu.memory_space<hbm>> -> memref<500000x128xf32, #tpu.memory_space<hbm>>
      tpu.wait_indirect_dma semaphore(%arg9 : memref<!tpu.dma_semaphore, #tpu.memory_space<semaphore_mem>>) src(%dma_wait3A_55 : memref<500000x128xf32, #tpu.memory_space<hbm>>) dst(%arg7 : memref<128x128xf32, #tpu.memory_space<vmem>>)
      %add3A_56 = arith.constant 1 : i32
      %add3A_57 = arith.addi %mul3A_24, %add3A_56 : i32
      %mul3A_58 = arith.constant 128 : i32
      %mul3A_59 = arith.muli %add3A_57, %mul3A_58 : i32
      %add3A_60 = arith.addi %mul3A_2, %mul3A_59 : i32
      "tpu.region"() ({
        %run_scoped3A = tpu.sem_alloc : memref<!tpu.dma_semaphore, #tpu.memory_space<semaphore_mem>>
        %dma_start3A_61 = arith.constant 0 : i32
        %dma_start3A_62 = tpu.memref_slice %arg4[%add3A_60, %dma_start3A_61] : memref<102400x128xf32, #tpu.memory_space<hbm>> -> memref<128x128xf32, #tpu.memory_space<hbm>>
        %dma_start3A_63 = arith.constant 0 : i32
        %dma_start3A_64 = tpu.memref_slice %arg4[%add3A_60, %dma_start3A_63] : memref<102400x128xf32, #tpu.memory_space<hbm>> -> memref<128x128xf32, #tpu.memory_space<hbm>>
        tpu.enqueue_dma source(%arg7 : memref<128x128xf32, #tpu.memory_space<vmem>>) target(%dma_start3A_64 : memref<128x128xf32, #tpu.memory_space<hbm>>) target_semaphore(%run_scoped3A : memref<!tpu.dma_semaphore, #tpu.memory_space<semaphore_mem>>)
        %dma_wait3A_65 = arith.constant 0 : i32
        %dma_wait3A_66 = tpu.memref_slice %arg4[%add3A_60, %dma_wait3A_65] : memref<102400x128xf32, #tpu.memory_space<hbm>> -> memref<128x128xf32, #tpu.memory_space<hbm>>
        %dma_wait3A_67 = arith.constant 0 : i32
        %dma_wait3A_68 = tpu.memref_slice %arg4[%add3A_60, %dma_wait3A_67] : memref<102400x128xf32, #tpu.memory_space<hbm>> -> memref<128x128xf32, #tpu.memory_space<hbm>>
        tpu.wait_dma2 semaphore(%run_scoped3A : memref<!tpu.dma_semaphore, #tpu.memory_space<semaphore_mem>>) src(%arg7 : memref<128x128xf32, #tpu.memory_space<vmem>>) dst(%dma_wait3A_68 : memref<128x128xf32, #tpu.memory_space<hbm>>)
        tpu.yield
      }) : () -> ()
    }
    %scan3A_13 = arith.constant 12 : i32
    %dma_wait3A = arith.constant 24 : i32
    %dma_wait3A_14 = arith.constant 0 : i32
    %dma_wait3A_15 = tpu.memref_slice %arg5[%dma_wait3A, %dma_wait3A_14] : memref<32x128xi32, #tpu.memory_space<vmem>> -> memref<1x128xi32, #tpu.memory_space<vmem>>
    %dma_wait3A_16 = tpu.memref_squeeze %dma_wait3A_15 : memref<1x128xi32, #tpu.memory_space<vmem>> -> memref<128xi32, #tpu.memory_space<vmem>>
    %dma_wait3A_17 = arith.constant 0 : i32
    %dma_wait3A_18 = arith.constant 0 : i32
    %dma_wait3A_19 = tpu.memref_slice %arg3[%dma_wait3A_17, %dma_wait3A_18] : memref<500000x128xf32, #tpu.memory_space<hbm>> -> memref<500000x128xf32, #tpu.memory_space<hbm>>
    tpu.wait_indirect_dma semaphore(%arg8 : memref<!tpu.dma_semaphore, #tpu.memory_space<semaphore_mem>>) src(%dma_wait3A_19 : memref<500000x128xf32, #tpu.memory_space<hbm>>) dst(%arg6 : memref<128x128xf32, #tpu.memory_space<vmem>>)
    %add3A_20 = arith.constant 3072 : i32
    %add3A_21 = arith.addi %mul3A_2, %add3A_20 : i32
    "tpu.region"() ({
      %run_scoped3A = tpu.sem_alloc : memref<!tpu.dma_semaphore, #tpu.memory_space<semaphore_mem>>
      %dma_start3A_22 = arith.constant 0 : i32
      %dma_start3A_23 = tpu.memref_slice %arg4[%add3A_21, %dma_start3A_22] : memref<102400x128xf32, #tpu.memory_space<hbm>> -> memref<128x128xf32, #tpu.memory_space<hbm>>
      %dma_start3A_24 = arith.constant 0 : i32
      %dma_start3A_25 = tpu.memref_slice %arg4[%add3A_21, %dma_start3A_24] : memref<102400x128xf32, #tpu.memory_space<hbm>> -> memref<128x128xf32, #tpu.memory_space<hbm>>
      tpu.enqueue_dma source(%arg6 : memref<128x128xf32, #tpu.memory_space<vmem>>) target(%dma_start3A_25 : memref<128x128xf32, #tpu.memory_space<hbm>>) target_semaphore(%run_scoped3A : memref<!tpu.dma_semaphore, #tpu.memory_space<semaphore_mem>>)
      %dma_wait3A_26 = arith.constant 0 : i32
      %dma_wait3A_27 = tpu.memref_slice %arg4[%add3A_21, %dma_wait3A_26] : memref<102400x128xf32, #tpu.memory_space<hbm>> -> memref<128x128xf32, #tpu.memory_space<hbm>>
      %dma_wait3A_28 = arith.constant 0 : i32
      %dma_wait3A_29 = tpu.memref_slice %arg4[%add3A_21, %dma_wait3A_28] : memref<102400x128xf32, #tpu.memory_space<hbm>> -> memref<128x128xf32, #tpu.memory_space<hbm>>
      tpu.wait_dma2 semaphore(%run_scoped3A : memref<!tpu.dma_semaphore, #tpu.memory_space<semaphore_mem>>) src(%arg6 : memref<128x128xf32, #tpu.memory_space<vmem>>) dst(%dma_wait3A_29 : memref<128x128xf32, #tpu.memory_space<hbm>>)
      tpu.yield
    }) : () -> ()
    return
  }
}

#map = affine_map<(d0, d1) -> (0, 0, 0)>
#map1 = affine_map<(d0, d1) -> (0, 0)>
module attributes {stable_mosaic.version = 14 : i64} {
  func.func @k(%arg0: i32, %arg1: i32, %arg2: memref<32x32x128xi32, #tpu.memory_space<hbm>>, %arg3: memref<500000x128xf32, #tpu.memory_space<hbm>>, %arg4: memref<102400x128xf32, #tpu.memory_space<hbm>>, %arg5: memref<32x128xi32, #tpu.memory_space<vmem>>, %arg6: memref<128x128xf32, #tpu.memory_space<vmem>>, %arg7: memref<128x128xf32, #tpu.memory_space<vmem>>, %arg8: memref<!tpu.dma_semaphore, #tpu.memory_space<semaphore_mem>>, %arg9: memref<!tpu.dma_semaphore, #tpu.memory_space<semaphore_mem>>) attributes {dimension_semantics = [#tpu.dimension_semantics<core_parallel>, #tpu.dimension_semantics<subcore_parallel>], iteration_bounds = array<i64: 2, 16>, scalar_prefetch = 0 : i64, scratch_operands = 5 : i64, tpu.core_type = #tpu.core_type<sc_vector_subcore>, window_params = [{transform_indices = #map}, {transform_indices = #map1}, {transform_indices = #map1}]} {
    %mul3A = arith.constant 2 : i32
    %mul3A_0 = arith.muli %arg1, %mul3A : i32
    %add3A = arith.addi %mul3A_0, %arg0 : i32
    %mul3A_1 = arith.constant 3200 : i32
    %mul3A_2 = arith.muli %add3A, %mul3A_1 : i32
    "tpu.region"() ({
      %run_scoped3A = tpu.sem_alloc : memref<!tpu.dma_semaphore, #tpu.memory_space<semaphore_mem>>
      %dma_start3A_22 = arith.constant 0 : i32
      %dma_start3A_23 = arith.constant 0 : i32
      %dma_start3A_24 = tpu.memref_slice %arg2[%add3A, %dma_start3A_22, %dma_start3A_23] : memref<32x32x128xi32, #tpu.memory_space<hbm>> -> memref<1x32x128xi32, #tpu.memory_space<hbm>>
      %dma_start3A_25 = tpu.memref_squeeze %dma_start3A_24 : memref<1x32x128xi32, #tpu.memory_space<hbm>> -> memref<32x128xi32, #tpu.memory_space<hbm>>
      %dma_start3A_26 = arith.constant 0 : i32
      %dma_start3A_27 = arith.constant 0 : i32
      %dma_start3A_28 = tpu.memref_slice %arg2[%add3A, %dma_start3A_26, %dma_start3A_27] : memref<32x32x128xi32, #tpu.memory_space<hbm>> -> memref<1x32x128xi32, #tpu.memory_space<hbm>>
      %dma_start3A_29 = tpu.memref_squeeze %dma_start3A_28 : memref<1x32x128xi32, #tpu.memory_space<hbm>> -> memref<32x128xi32, #tpu.memory_space<hbm>>
      tpu.enqueue_dma source(%dma_start3A_29 : memref<32x128xi32, #tpu.memory_space<hbm>>) target(%arg5 : memref<32x128xi32, #tpu.memory_space<vmem>>) target_semaphore(%run_scoped3A : memref<!tpu.dma_semaphore, #tpu.memory_space<semaphore_mem>>)
      %dma_wait3A_30 = arith.constant 0 : i32
      %dma_wait3A_31 = arith.constant 0 : i32
      %dma_wait3A_32 = tpu.memref_slice %arg2[%add3A, %dma_wait3A_30, %dma_wait3A_31] : memref<32x32x128xi32, #tpu.memory_space<hbm>> -> memref<1x32x128xi32, #tpu.memory_space<hbm>>
      %dma_wait3A_33 = tpu.memref_squeeze %dma_wait3A_32 : memref<1x32x128xi32, #tpu.memory_space<hbm>> -> memref<32x128xi32, #tpu.memory_space<hbm>>
      %dma_wait3A_34 = arith.constant 0 : i32
      %dma_wait3A_35 = arith.constant 0 : i32
      %dma_wait3A_36 = tpu.memref_slice %arg2[%add3A, %dma_wait3A_34, %dma_wait3A_35] : memref<32x32x128xi32, #tpu.memory_space<hbm>> -> memref<1x32x128xi32, #tpu.memory_space<hbm>>
      %dma_wait3A_37 = tpu.memref_squeeze %dma_wait3A_36 : memref<1x32x128xi32, #tpu.memory_space<hbm>> -> memref<32x128xi32, #tpu.memory_space<hbm>>
      tpu.wait_dma2 semaphore(%run_scoped3A : memref<!tpu.dma_semaphore, #tpu.memory_space<semaphore_mem>>) src(%dma_wait3A_37 : memref<32x128xi32, #tpu.memory_space<hbm>>) dst(%arg5 : memref<32x128xi32, #tpu.memory_space<vmem>>)
      tpu.yield
    }) : () -> ()
    %dma_start3A = arith.constant 0 : i32
    %dma_start3A_3 = arith.constant 0 : i32
    %dma_start3A_4 = tpu.memref_slice %arg5[%dma_start3A, %dma_start3A_3] : memref<32x128xi32, #tpu.memory_space<vmem>> -> memref<1x128xi32, #tpu.memory_space<vmem>>
    %dma_start3A_5 = tpu.memref_squeeze %dma_start3A_4 : memref<1x128xi32, #tpu.memory_space<vmem>> -> memref<128xi32, #tpu.memory_space<vmem>>
    %dma_start3A_6 = arith.constant 0 : i32
    %dma_start3A_7 = arith.constant 0 : i32
    %dma_start3A_8 = tpu.memref_slice %arg3[%dma_start3A_6, %dma_start3A_7] : memref<500000x128xf32, #tpu.memory_space<hbm>> -> memref<500000x128xf32, #tpu.memory_space<hbm>>
    tpu.enqueue_indirect_dma source(%dma_start3A_8 : memref<500000x128xf32, #tpu.memory_space<hbm>>) target(%arg6 : memref<128x128xf32, #tpu.memory_space<vmem>>) offsets(%dma_start3A_5 : memref<128xi32, #tpu.memory_space<vmem>>) semaphore(%arg8 : memref<!tpu.dma_semaphore, #tpu.memory_space<semaphore_mem>>)
    %scan3A = arith.constant 0 : i32
    %scan3A_9 = arith.constant 0 : i32
    %scan3A_10 = arith.constant 12 : i32
    %scan3A_11 = arith.addi %scan3A_9, %scan3A_10 : i32
    %scan3A_12 = arith.constant 1 : i32
    scf.for %scan3A_22 = %scan3A_9 to %scan3A_11 step %scan3A_12  : i32 {
      %mul3A_23 = arith.constant 2 : i32
      %mul3A_24 = arith.muli %mul3A_23, %scan3A_22 : i32
      %add3A_25 = arith.constant 1 : i32
      %add3A_26 = arith.addi %mul3A_24, %add3A_25 : i32
      %dma_start3A_27 = arith.constant 0 : i32
      %dma_start3A_28 = tpu.memref_slice %arg5[%add3A_26, %dma_start3A_27] : memref<32x128xi32, #tpu.memory_space<vmem>> -> memref<1x128xi32, #tpu.memory_space<vmem>>
      %dma_start3A_29 = tpu.memref_squeeze %dma_start3A_28 : memref<1x128xi32, #tpu.memory_space<vmem>> -> memref<128xi32, #tpu.memory_space<vmem>>
      %dma_start3A_30 = arith.constant 0 : i32
      %dma_start3A_31 = arith.constant 0 : i32
      %dma_start3A_32 = tpu.memref_slice %arg3[%dma_start3A_30, %dma_start3A_31] : memref<500000x128xf32, #tpu.memory_space<hbm>> -> memref<500000x128xf32, #tpu.memory_space<hbm>>
      tpu.enqueue_indirect_dma source(%dma_start3A_32 : memref<500000x128xf32, #tpu.memory_space<hbm>>) target(%arg7 : memref<128x128xf32, #tpu.memory_space<vmem>>) offsets(%dma_start3A_29 : memref<128xi32, #tpu.memory_space<vmem>>) semaphore(%arg9 : memref<!tpu.dma_semaphore, #tpu.memory_space<semaphore_mem>>)
      %dma_wait3A_33 = arith.constant 0 : i32
      %dma_wait3A_34 = tpu.memref_slice %arg5[%mul3A_24, %dma_wait3A_33] : memref<32x128xi32, #tpu.memory_space<vmem>> -> memref<1x128xi32, #tpu.memory_space<vmem>>
      %dma_wait3A_35 = tpu.memref_squeeze %dma_wait3A_34 : memref<1x128xi32, #tpu.memory_space<vmem>> -> memref<128xi32, #tpu.memory_space<vmem>>
      %dma_wait3A_36 = arith.constant 0 : i32
      %dma_wait3A_37 = arith.constant 0 : i32
      %dma_wait3A_38 = tpu.memref_slice %arg3[%dma_wait3A_36, %dma_wait3A_37] : memref<500000x128xf32, #tpu.memory_space<hbm>> -> memref<500000x128xf32, #tpu.memory_space<hbm>>
      tpu.wait_indirect_dma semaphore(%arg8 : memref<!tpu.dma_semaphore, #tpu.memory_space<semaphore_mem>>) src(%dma_wait3A_38 : memref<500000x128xf32, #tpu.memory_space<hbm>>) dst(%arg6 : memref<128x128xf32, #tpu.memory_space<vmem>>)
      %mul3A_39 = arith.constant 128 : i32
      %mul3A_40 = arith.muli %mul3A_24, %mul3A_39 : i32
      %add3A_41 = arith.addi %mul3A_2, %mul3A_40 : i32
      "tpu.region"() ({
        %run_scoped3A = tpu.sem_alloc : memref<!tpu.dma_semaphore, #tpu.memory_space<semaphore_mem>>
        %dma_start3A_61 = arith.constant 0 : i32
        %dma_start3A_62 = tpu.memref_slice %arg4[%add3A_41, %dma_start3A_61] : memref<102400x128xf32, #tpu.memory_space<hbm>> -> memref<128x128xf32, #tpu.memory_space<hbm>>
        %dma_start3A_63 = arith.constant 0 : i32
        %dma_start3A_64 = tpu.memref_slice %arg4[%add3A_41, %dma_start3A_63] : memref<102400x128xf32, #tpu.memory_space<hbm>> -> memref<128x128xf32, #tpu.memory_space<hbm>>
        tpu.enqueue_dma source(%arg6 : memref<128x128xf32, #tpu.memory_space<vmem>>) target(%dma_start3A_64 : memref<128x128xf32, #tpu.memory_space<hbm>>) target_semaphore(%run_scoped3A : memref<!tpu.dma_semaphore, #tpu.memory_space<semaphore_mem>>)
        %dma_wait3A_65 = arith.constant 0 : i32
        %dma_wait3A_66 = tpu.memref_slice %arg4[%add3A_41, %dma_wait3A_65] : memref<102400x128xf32, #tpu.memory_space<hbm>> -> memref<128x128xf32, #tpu.memory_space<hbm>>
        %dma_wait3A_67 = arith.constant 0 : i32
        %dma_wait3A_68 = tpu.memref_slice %arg4[%add3A_41, %dma_wait3A_67] : memref<102400x128xf32, #tpu.memory_space<hbm>> -> memref<128x128xf32, #tpu.memory_space<hbm>>
        tpu.wait_dma2 semaphore(%run_scoped3A : memref<!tpu.dma_semaphore, #tpu.memory_space<semaphore_mem>>) src(%arg6 : memref<128x128xf32, #tpu.memory_space<vmem>>) dst(%dma_wait3A_68 : memref<128x128xf32, #tpu.memory_space<hbm>>)
        tpu.yield
      }) : () -> ()
      %mul3A_42 = arith.constant 2 : i32
      %mul3A_43 = arith.muli %mul3A_42, %scan3A_22 : i32
      %add3A_44 = arith.constant 2 : i32
      %add3A_45 = arith.addi %mul3A_43, %add3A_44 : i32
      %lt3A = arith.constant 25 : i32
      %lt3A_46 = arith.cmpi slt, %add3A_45, %lt3A : i32
      %convert_element_type3A = arith.extui %lt3A_46 : i1 to i32
      %cond3A = arith.constant 0 : i32
      %cond3A_47 = arith.cmpi ne, %convert_element_type3A, %cond3A : i32
      scf.if %cond3A_47 {
        %add3A_61 = arith.constant 2 : i32
        %add3A_62 = arith.addi %mul3A_24, %add3A_61 : i32
        %dma_start3A_63 = arith.constant 0 : i32
        %dma_start3A_64 = tpu.memref_slice %arg5[%add3A_62, %dma_start3A_63] : memref<32x128xi32, #tpu.memory_space<vmem>> -> memref<1x128xi32, #tpu.memory_space<vmem>>
        %dma_start3A_65 = tpu.memref_squeeze %dma_start3A_64 : memref<1x128xi32, #tpu.memory_space<vmem>> -> memref<128xi32, #tpu.memory_space<vmem>>
        %dma_start3A_66 = arith.constant 0 : i32
        %dma_start3A_67 = arith.constant 0 : i32
        %dma_start3A_68 = tpu.memref_slice %arg3[%dma_start3A_66, %dma_start3A_67] : memref<500000x128xf32, #tpu.memory_space<hbm>> -> memref<500000x128xf32, #tpu.memory_space<hbm>>
        tpu.enqueue_indirect_dma source(%dma_start3A_68 : memref<500000x128xf32, #tpu.memory_space<hbm>>) target(%arg6 : memref<128x128xf32, #tpu.memory_space<vmem>>) offsets(%dma_start3A_65 : memref<128xi32, #tpu.memory_space<vmem>>) semaphore(%arg8 : memref<!tpu.dma_semaphore, #tpu.memory_space<semaphore_mem>>)
      } else {
      }
      %add3A_48 = arith.constant 1 : i32
      %add3A_49 = arith.addi %mul3A_24, %add3A_48 : i32
      %dma_wait3A_50 = arith.constant 0 : i32
      %dma_wait3A_51 = tpu.memref_slice %arg5[%add3A_49, %dma_wait3A_50] : memref<32x128xi32, #tpu.memory_space<vmem>> -> memref<1x128xi32, #tpu.memory_space<vmem>>
      %dma_wait3A_52 = tpu.memref_squeeze %dma_wait3A_51 : memref<1x128xi32, #tpu.memory_space<vmem>> -> memref<128xi32, #tpu.memory_space<vmem>>
      %dma_wait3A_53 = arith.constant 0 : i32
      %dma_wait3A_54 = arith.constant 0 : i32
      %dma_wait3A_55 = tpu.memref_slice %arg3[%dma_wait3A_53, %dma_wait3A_54] : memref<500000x128xf32, #tpu.memory_space<hbm>> -> memref<500000x128xf32, #tpu.memory_space<hbm>>
      tpu.wait_indirect_dma semaphore(%arg9 : memref<!tpu.dma_semaphore, #tpu.memory_space<semaphore_mem>>) src(%dma_wait3A_55 : memref<500000x128xf32, #tpu.memory_space<hbm>>) dst(%arg7 : memref<128x128xf32, #tpu.memory_space<vmem>>)
      %add3A_56 = arith.constant 1 : i32
      %add3A_57 = arith.addi %mul3A_24, %add3A_56 : i32
      %mul3A_58 = arith.constant 128 : i32
      %mul3A_59 = arith.muli %add3A_57, %mul3A_58 : i32
      %add3A_60 = arith.addi %mul3A_2, %mul3A_59 : i32
      "tpu.region"() ({
        %run_scoped3A = tpu.sem_alloc : memref<!tpu.dma_semaphore, #tpu.memory_space<semaphore_mem>>
        %dma_start3A_61 = arith.constant 0 : i32
        %dma_start3A_62 = tpu.memref_slice %arg4[%add3A_60, %dma_start3A_61] : memref<102400x128xf32, #tpu.memory_space<hbm>> -> memref<128x128xf32, #tpu.memory_space<hbm>>
        %dma_start3A_63 = arith.constant 0 : i32
        %dma_start3A_64 = tpu.memref_slice %arg4[%add3A_60, %dma_start3A_63] : memref<102400x128xf32, #tpu.memory_space<hbm>> -> memref<128x128xf32, #tpu.memory_space<hbm>>
        tpu.enqueue_dma source(%arg7 : memref<128x128xf32, #tpu.memory_space<vmem>>) target(%dma_start3A_64 : memref<128x128xf32, #tpu.memory_space<hbm>>) target_semaphore(%run_scoped3A : memref<!tpu.dma_semaphore, #tpu.memory_space<semaphore_mem>>)
        %dma_wait3A_65 = arith.constant 0 : i32
        %dma_wait3A_66 = tpu.memref_slice %arg4[%add3A_60, %dma_wait3A_65] : memref<102400x128xf32, #tpu.memory_space<hbm>> -> memref<128x128xf32, #tpu.memory_space<hbm>>
        %dma_wait3A_67 = arith.constant 0 : i32
        %dma_wait3A_68 = tpu.memref_slice %arg4[%add3A_60, %dma_wait3A_67] : memref<102400x128xf32, #tpu.memory_space<hbm>> -> memref<128x128xf32, #tpu.memory_space<hbm>>
        tpu.wait_dma2 semaphore(%run_scoped3A : memref<!tpu.dma_semaphore, #tpu.memory_space<semaphore_mem>>) src(%arg7 : memref<128x128xf32, #tpu.memory_space<vmem>>) dst(%dma_wait3A_68 : memref<128x128xf32, #tpu.memory_space<hbm>>)
        tpu.yield
      }) : () -> ()
    }
    %scan3A_13 = arith.constant 12 : i32
    %dma_wait3A = arith.constant 24 : i32
    %dma_wait3A_14 = arith.constant 0 : i32
    %dma_wait3A_15 = tpu.memref_slice %arg5[%dma_wait3A, %dma_wait3A_14] : memref<32x128xi32, #tpu.memory_space<vmem>> -> memref<1x128xi32, #tpu.memory_space<vmem>>
    %dma_wait3A_16 = tpu.memref_squeeze %dma_wait3A_15 : memref<1x128xi32, #tpu.memory_space<vmem>> -> memref<128xi32, #tpu.memory_space<vmem>>
    %dma_wait3A_17 = arith.constant 0 : i32
    %dma_wait3A_18 = arith.constant 0 : i32
    %dma_wait3A_19 = tpu.memref_slice %arg3[%dma_wait3A_17, %dma_wait3A_18] : memref<500000x128xf32, #tpu.memory_space<hbm>> -> memref<500000x128xf32, #tpu.memory_space<hbm>>
    tpu.wait_indirect_dma semaphore(%arg8 : memref<!tpu.dma_semaphore, #tpu.memory_space<semaphore_mem>>) src(%dma_wait3A_19 : memref<500000x128xf32, #tpu.memory_space<hbm>>) dst(%arg6 : memref<128x128xf32, #tpu.memory_space<vmem>>)
    %add3A_20 = arith.constant 3072 : i32
    %add3A_21 = arith.addi %mul3A_2, %add3A_20 : i32
    "tpu.region"() ({
      %run_scoped3A = tpu.sem_alloc : memref<!tpu.dma_semaphore, #tpu.memory_space<semaphore_mem>>
      %dma_start3A_22 = arith.constant 0 : i32
      %dma_start3A_23 = tpu.memref_slice %arg4[%add3A_21, %dma_start3A_22] : memref<102400x128xf32, #tpu.memory_space<hbm>> -> memref<128x128xf32, #tpu.memory_space<hbm>>
      %dma_start3A_24 = arith.constant 0 : i32
      %dma_start3A_25 = tpu.memref_slice %arg4[%add3A_21, %dma_start3A_24] : memref<102400x128xf32, #tpu.memory_space<hbm>> -> memref<128x128xf32, #tpu.memory_space<hbm>>
      tpu.enqueue_dma source(%arg6 : memref<128x128xf32, #tpu.memory_space<vmem>>) target(%dma_start3A_25 : memref<128x128xf32, #tpu.memory_space<hbm>>) target_semaphore(%run_scoped3A : memref<!tpu.dma_semaphore, #tpu.memory_space<semaphore_mem>>)
      %dma_wait3A_26 = arith.constant 0 : i32
      %dma_wait3A_27 = tpu.memref_slice %arg4[%add3A_21, %dma_wait3A_26] : memref<102400x128xf32, #tpu.memory_space<hbm>> -> memref<128x128xf32, #tpu.memory_space<hbm>>
      %dma_wait3A_28 = arith.constant 0 : i32
      %dma_wait3A_29 = tpu.memref_slice %arg4[%add3A_21, %dma_wait3A_28] : memref<102400x128xf32, #tpu.memory_space<hbm>> -> memref<128x128xf32, #tpu.memory_space<hbm>>
      tpu.wait_dma2 semaphore(%run_scoped3A : memref<!tpu.dma_semaphore, #tpu.memory_space<semaphore_mem>>) src(%arg6 : memref<128x128xf32, #tpu.memory_space<vmem>>) dst(%dma_wait3A_29 : memref<128x128xf32, #tpu.memory_space<hbm>>)
      tpu.yield
    }) : () -> ()
    return
  }
}

module attributes {stable_mosaic.version = 14 : i64} {
  func.func @_tc_body(%arg0: i32, %arg1: memref<80x128x128xf32, #tpu.memory_space<vmem>>, %arg2: memref<80x128xf32, #tpu.memory_space<vmem>>, %arg3: memref<80x128xf32, #tpu.memory_space<vmem>>, %arg4: memref<80x128xf32, #tpu.memory_space<vmem>>, %arg5: memref<128x64xf32, #tpu.memory_space<vmem>>, %arg6: memref<128x64xf32, #tpu.memory_space<vmem>>, %arg7: memref<80x128x64xf32, #tpu.memory_space<vmem>>) attributes {dimension_semantics = [#tpu.dimension_semantics<arbitrary>], iteration_bounds = array<i64: 10>, scalar_prefetch = 0 : i64, scratch_operands = 0 : i64, tpu.core_type = #tpu.core_type<tc>, window_params = [{transform_indices = @transform_0, window_bounds = array<i64: 80, 128, 128>}, {transform_indices = @transform_1, window_bounds = array<i64: 80, 128>}, {transform_indices = @transform_2, window_bounds = array<i64: 80, 128>}, {transform_indices = @transform_3, window_bounds = array<i64: 80, 128>}, {pipeline_mode = #tpu.pipeline_mode<synchronous>, transform_indices = @transform_4, window_bounds = array<i64: 128, 64>}, {pipeline_mode = #tpu.pipeline_mode<synchronous>, transform_indices = @transform_5, window_bounds = array<i64: 128, 64>}, {transform_indices = @transform_6, window_bounds = array<i64: 80, 128, 64>}]} {
    %get3A = arith.constant 0 : index
    %get3A_0 = arith.constant 0 : index
    %get3A_1 = arith.constant 0 : index
    %get3A_2 = vector.load %arg1[%get3A, %get3A_0, %get3A_1] : memref<80x128x128xf32, #tpu.memory_space<vmem>>, vector<80x128x128xf32>
    %iota3A = tpu.iota {dimensions = array<i32: 2>} : vector<80x128x128xi32>
    %get3A_3 = arith.constant 0 : index
    %get3A_4 = arith.constant 0 : index
    %get3A_5 = vector.load %arg4[%get3A_3, %get3A_4] : memref<80x128xf32, #tpu.memory_space<vmem>>, vector<80x128xf32>
    %broadcast_in_dim3A = vector.shape_cast %get3A_5 : vector<80x128xf32> to vector<80x128x1xf32>
    %lt3A = arith.constant 64 : i32
    %lt3A_6 = vector.broadcast %lt3A : i32 to vector<80x128x128xi32>
    %lt3A_7 = arith.cmpi slt, %iota3A, %lt3A_6 : vector<80x128x128xi32>
    %sub3A = arith.constant 1.000000e+00 : f32
    %sub3A_8 = vector.broadcast %sub3A : f32 to vector<80x128x1xf32>
    %sub3A_9 = arith.subf %sub3A_8, %broadcast_in_dim3A : vector<80x128x1xf32>
    %broadcast_in_dim3A_10 = vector.shape_cast %sub3A_9 : vector<80x128x1xf32> to vector<80x128x1xf32>
    %broadcast_in_dim3A_11 = vector.broadcast %broadcast_in_dim3A_10 : vector<80x128x1xf32> to vector<80x128x128xf32>
    %broadcast_in_dim3A_12 = vector.shape_cast %broadcast_in_dim3A : vector<80x128x1xf32> to vector<80x128x1xf32>
    %broadcast_in_dim3A_13 = vector.broadcast %broadcast_in_dim3A_12 : vector<80x128x1xf32> to vector<80x128x128xf32>
    %select_n3A = arith.select %lt3A_7, %broadcast_in_dim3A_11, %broadcast_in_dim3A_13 : vector<80x128x128xi1>, vector<80x128x128xf32>
    %get3A_14 = arith.constant 0 : index
    %get3A_15 = arith.constant 0 : index
    %get3A_16 = vector.load %arg2[%get3A_14, %get3A_15] : memref<80x128xf32, #tpu.memory_space<vmem>>, vector<80x128xf32>
    %broadcast_in_dim3A_17 = vector.shape_cast %get3A_16 : vector<80x128xf32> to vector<80x128x1xf32>
    %mul3A = vector.broadcast %broadcast_in_dim3A_17 : vector<80x128x1xf32> to vector<80x128x128xf32>
    %mul3A_18 = arith.mulf %select_n3A, %mul3A : vector<80x128x128xf32>
    %mul3A_19 = arith.mulf %get3A_2, %mul3A_18 : vector<80x128x128xf32>
    %reshape3A = vector.shape_cast %mul3A_19 : vector<80x128x128xf32> to vector<10240x128xf32>
    %get3A_20 = arith.constant 0 : index
    %get3A_21 = arith.constant 0 : index
    %get3A_22 = vector.load %arg3[%get3A_20, %get3A_21] : memref<80x128xf32, #tpu.memory_space<vmem>>, vector<80x128xf32>
    %broadcast_in_dim3A_23 = vector.shape_cast %get3A_22 : vector<80x128xf32> to vector<80x128x1xf32>
    %mul3A_24 = vector.broadcast %broadcast_in_dim3A_23 : vector<80x128x1xf32> to vector<80x128x128xf32>
    %mul3A_25 = arith.mulf %select_n3A, %mul3A_24 : vector<80x128x128xf32>
    %mul3A_26 = arith.mulf %get3A_2, %mul3A_25 : vector<80x128x128xf32>
    %reshape3A_27 = vector.shape_cast %mul3A_26 : vector<80x128x128xf32> to vector<10240x128xf32>
    %get3A_28 = arith.constant 0 : index
    %get3A_29 = arith.constant 0 : index
    %get3A_30 = vector.load %arg5[%get3A_28, %get3A_29] : memref<128x64xf32, #tpu.memory_space<vmem>>, vector<128x64xf32>
    %dot_general3A = arith.constant dense<0.000000e+00> : vector<10240x64xf32>
    %dot_general3A_31 = tpu.matmul %reshape3A, %get3A_30, %dot_general3A {dimension_numbers = #tpu.dot_dimension_numbers<[1], [0], [0], [1], [0, 0, 1, 1], [], []>, transpose_lhs_hint = false} : vector<10240x128xf32>, vector<128x64xf32>, vector<10240x64xf32> -> vector<10240x64xf32>
    %get3A_32 = arith.constant 0 : index
    %get3A_33 = arith.constant 0 : index
    %get3A_34 = vector.load %arg6[%get3A_32, %get3A_33] : memref<128x64xf32, #tpu.memory_space<vmem>>, vector<128x64xf32>
    %dot_general3A_35 = arith.constant dense<0.000000e+00> : vector<10240x64xf32>
    %dot_general3A_36 = tpu.matmul %reshape3A_27, %get3A_34, %dot_general3A_35 {dimension_numbers = #tpu.dot_dimension_numbers<[1], [0], [0], [1], [0, 0, 1, 1], [], []>, transpose_lhs_hint = false} : vector<10240x128xf32>, vector<128x64xf32>, vector<10240x64xf32> -> vector<10240x64xf32>
    %add3A = arith.addf %dot_general3A_31, %dot_general3A_36 : vector<10240x64xf32>
    %reshape3A_37 = vector.shape_cast %add3A : vector<10240x64xf32> to vector<80x128x64xf32>
    %swap3A = arith.constant 0 : index
    %swap3A_38 = arith.constant 0 : index
    %swap3A_39 = arith.constant 0 : index
    %swap3A_40 = vector.load %arg7[%swap3A, %swap3A_38, %swap3A_39] : memref<80x128x64xf32, #tpu.memory_space<vmem>>, vector<80x128x64xf32>
    tpu.vector_store %arg7[%swap3A, %swap3A_38, %swap3A_39], %reshape3A_37 {strides = array<i32>} : memref<80x128x64xf32, #tpu.memory_space<vmem>>, vector<80x128x64xf32>,
    return
  }
  func.func @transform_0(%arg0: i32) -> (i32, i32, i32) {
    %c0_i32 = arith.constant 0 : i32
    %c0_i32_0 = arith.constant 0 : i32
    %c0_i32_1 = arith.constant 0 : i32
    return %arg0, %c0_i32, %c0_i32_0 : i32, i32, i32
  }
  func.func @transform_1(%arg0: i32) -> (i32, i32) {
    %c0_i32 = arith.constant 0 : i32
    %c0_i32_0 = arith.constant 0 : i32
    return %arg0, %c0_i32 : i32, i32
  }
  func.func @transform_2(%arg0: i32) -> (i32, i32) {
    %c0_i32 = arith.constant 0 : i32
    %c0_i32_0 = arith.constant 0 : i32
    return %arg0, %c0_i32 : i32, i32
  }
  func.func @transform_3(%arg0: i32) -> (i32, i32) {
    %c0_i32 = arith.constant 0 : i32
    %c0_i32_0 = arith.constant 0 : i32
    return %arg0, %c0_i32 : i32, i32
  }
  func.func @transform_4(%arg0: i32) -> (i32, i32) {
    %c0_i32 = arith.constant 0 : i32
    %c0_i32_0 = arith.constant 0 : i32
    %c0_i32_1 = arith.constant 0 : i32
    return %c0_i32, %c0_i32_0 : i32, i32
  }
  func.func @transform_5(%arg0: i32) -> (i32, i32) {
    %c0_i32 = arith.constant 0 : i32
    %c0_i32_0 = arith.constant 0 : i32
    %c0_i32_1 = arith.constant 0 : i32
    return %c0_i32, %c0_i32_0 : i32, i32
  }
  func.func @transform_6(%arg0: i32) -> (i32, i32, i32) {
    %c0_i32 = arith.constant 0 : i32
    %c0_i32_0 = arith.constant 0 : i32
    %c0_i32_1 = arith.constant 0 : i32
    return %arg0, %c0_i32, %c0_i32_0 : i32, i32, i32
  }
}

module attributes {stable_mosaic.version = 14 : i64} {
  func.func @body(%arg0: i32, %arg1: memref<8x128x64xf32, #tpu.memory_space<vmem>>, %arg2: memref<80x128x128xf32, #tpu.memory_space<vmem>>, %arg3: memref<80x128xf32, #tpu.memory_space<vmem>>, %arg4: memref<80x128xf32, #tpu.memory_space<vmem>>, %arg5: memref<80x128xf32, #tpu.memory_space<vmem>>, %arg6: memref<128x64xf32, #tpu.memory_space<vmem>>, %arg7: memref<128x64xf32, #tpu.memory_space<vmem>>, %arg8: memref<80x128x64xf32, #tpu.memory_space<vmem>>) attributes {dimension_semantics = [#tpu.dimension_semantics<arbitrary>], iteration_bounds = array<i64: 10>, scalar_prefetch = 0 : i64, scratch_operands = 0 : i64, tpu.core_type = #tpu.core_type<tc>, window_params = [{transform_indices = @transform_0, window_bounds = array<i64: 8, 128, 64>}, {transform_indices = @transform_1, window_bounds = array<i64: 80, 128, 128>}, {transform_indices = @transform_2, window_bounds = array<i64: 80, 128>}, {transform_indices = @transform_3, window_bounds = array<i64: 80, 128>}, {transform_indices = @transform_4, window_bounds = array<i64: 80, 128>}, {pipeline_mode = #tpu.pipeline_mode<synchronous>, transform_indices = @transform_5, window_bounds = array<i64: 128, 64>}, {pipeline_mode = #tpu.pipeline_mode<synchronous>, transform_indices = @transform_6, window_bounds = array<i64: 128, 64>}, {transform_indices = @transform_7, window_bounds = array<i64: 80, 128, 64>}]} {
    %get3A = arith.constant 0 : index
    %get3A_0 = arith.constant 0 : index
    %get3A_1 = arith.constant 0 : index
    %get3A_2 = vector.load %arg2[%get3A, %get3A_0, %get3A_1] : memref<80x128x128xf32, #tpu.memory_space<vmem>>, vector<80x128x128xf32>
    %iota3A = tpu.iota {dimensions = array<i32: 2>} : vector<80x128x128xi32>
    %get3A_3 = arith.constant 0 : index
    %get3A_4 = arith.constant 0 : index
    %get3A_5 = vector.load %arg5[%get3A_3, %get3A_4] : memref<80x128xf32, #tpu.memory_space<vmem>>, vector<80x128xf32>
    %broadcast_in_dim3A = vector.shape_cast %get3A_5 : vector<80x128xf32> to vector<80x128x1xf32>
    %lt3A = arith.constant 64 : i32
    %lt3A_6 = vector.broadcast %lt3A : i32 to vector<80x128x128xi32>
    %lt3A_7 = arith.cmpi slt, %iota3A, %lt3A_6 : vector<80x128x128xi32>
    %sub3A = arith.constant 1.000000e+00 : f32
    %sub3A_8 = vector.broadcast %sub3A : f32 to vector<80x128x1xf32>
    %sub3A_9 = arith.subf %sub3A_8, %broadcast_in_dim3A : vector<80x128x1xf32>
    %broadcast_in_dim3A_10 = vector.shape_cast %sub3A_9 : vector<80x128x1xf32> to vector<80x128x1xf32>
    %broadcast_in_dim3A_11 = vector.broadcast %broadcast_in_dim3A_10 : vector<80x128x1xf32> to vector<80x128x128xf32>
    %broadcast_in_dim3A_12 = vector.shape_cast %broadcast_in_dim3A : vector<80x128x1xf32> to vector<80x128x1xf32>
    %broadcast_in_dim3A_13 = vector.broadcast %broadcast_in_dim3A_12 : vector<80x128x1xf32> to vector<80x128x128xf32>
    %select_n3A = arith.select %lt3A_7, %broadcast_in_dim3A_11, %broadcast_in_dim3A_13 : vector<80x128x128xi1>, vector<80x128x128xf32>
    %get3A_14 = arith.constant 0 : index
    %get3A_15 = arith.constant 0 : index
    %get3A_16 = vector.load %arg3[%get3A_14, %get3A_15] : memref<80x128xf32, #tpu.memory_space<vmem>>, vector<80x128xf32>
    %broadcast_in_dim3A_17 = vector.shape_cast %get3A_16 : vector<80x128xf32> to vector<80x128x1xf32>
    %mul3A = vector.broadcast %broadcast_in_dim3A_17 : vector<80x128x1xf32> to vector<80x128x128xf32>
    %mul3A_18 = arith.mulf %select_n3A, %mul3A : vector<80x128x128xf32>
    %mul3A_19 = arith.mulf %get3A_2, %mul3A_18 : vector<80x128x128xf32>
    %reshape3A = vector.shape_cast %mul3A_19 : vector<80x128x128xf32> to vector<10240x128xf32>
    %get3A_20 = arith.constant 0 : index
    %get3A_21 = arith.constant 0 : index
    %get3A_22 = vector.load %arg4[%get3A_20, %get3A_21] : memref<80x128xf32, #tpu.memory_space<vmem>>, vector<80x128xf32>
    %broadcast_in_dim3A_23 = vector.shape_cast %get3A_22 : vector<80x128xf32> to vector<80x128x1xf32>
    %mul3A_24 = vector.broadcast %broadcast_in_dim3A_23 : vector<80x128x1xf32> to vector<80x128x128xf32>
    %mul3A_25 = arith.mulf %select_n3A, %mul3A_24 : vector<80x128x128xf32>
    %mul3A_26 = arith.mulf %get3A_2, %mul3A_25 : vector<80x128x128xf32>
    %reshape3A_27 = vector.shape_cast %mul3A_26 : vector<80x128x128xf32> to vector<10240x128xf32>
    %get3A_28 = arith.constant 0 : index
    %get3A_29 = arith.constant 0 : index
    %get3A_30 = vector.load %arg6[%get3A_28, %get3A_29] : memref<128x64xf32, #tpu.memory_space<vmem>>, vector<128x64xf32>
    %dot_general3A = arith.constant dense<0.000000e+00> : vector<10240x64xf32>
    %dot_general3A_31 = tpu.matmul %reshape3A, %get3A_30, %dot_general3A {dimension_numbers = #tpu.dot_dimension_numbers<[1], [0], [0], [1], [0, 0, 1, 1], [], []>, transpose_lhs_hint = false} : vector<10240x128xf32>, vector<128x64xf32>, vector<10240x64xf32> -> vector<10240x64xf32>
    %get3A_32 = arith.constant 0 : index
    %get3A_33 = arith.constant 0 : index
    %get3A_34 = vector.load %arg7[%get3A_32, %get3A_33] : memref<128x64xf32, #tpu.memory_space<vmem>>, vector<128x64xf32>
    %dot_general3A_35 = arith.constant dense<0.000000e+00> : vector<10240x64xf32>
    %dot_general3A_36 = tpu.matmul %reshape3A_27, %get3A_34, %dot_general3A_35 {dimension_numbers = #tpu.dot_dimension_numbers<[1], [0], [0], [1], [0, 0, 1, 1], [], []>, transpose_lhs_hint = false} : vector<10240x128xf32>, vector<128x64xf32>, vector<10240x64xf32> -> vector<10240x64xf32>
    %add3A = arith.addf %dot_general3A_31, %dot_general3A_36 : vector<10240x64xf32>
    %reshape3A_37 = vector.shape_cast %add3A : vector<10240x64xf32> to vector<80x128x64xf32>
    %swap3A = arith.constant 0 : index
    %swap3A_38 = arith.constant 0 : index
    %swap3A_39 = arith.constant 0 : index
    %swap3A_40 = vector.load %arg8[%swap3A, %swap3A_38, %swap3A_39] : memref<80x128x64xf32, #tpu.memory_space<vmem>>, vector<80x128x64xf32>
    tpu.vector_store %arg8[%swap3A, %swap3A_38, %swap3A_39], %reshape3A_37 {strides = array<i32>} : memref<80x128x64xf32, #tpu.memory_space<vmem>>, vector<80x128x64xf32>,
    return
  }
  func.func @transform_0(%arg0: i32) -> (i32, i32, i32) {
    %c0_i32 = arith.constant 0 : i32
    %c0_i32_0 = arith.constant 0 : i32
    %c0_i32_1 = arith.constant 0 : i32
    %c0_i32_2 = arith.constant 0 : i32
    return %c0_i32, %c0_i32_0, %c0_i32_1 : i32, i32, i32
  }
  func.func @transform_1(%arg0: i32) -> (i32, i32, i32) {
    %c0_i32 = arith.constant 0 : i32
    %c0_i32_0 = arith.constant 0 : i32
    %c0_i32_1 = arith.constant 0 : i32
    return %arg0, %c0_i32, %c0_i32_0 : i32, i32, i32
  }
  func.func @transform_2(%arg0: i32) -> (i32, i32) {
    %c0_i32 = arith.constant 0 : i32
    %c0_i32_0 = arith.constant 0 : i32
    return %arg0, %c0_i32 : i32, i32
  }
  func.func @transform_3(%arg0: i32) -> (i32, i32) {
    %c0_i32 = arith.constant 0 : i32
    %c0_i32_0 = arith.constant 0 : i32
    return %arg0, %c0_i32 : i32, i32
  }
  func.func @transform_4(%arg0: i32) -> (i32, i32) {
    %c0_i32 = arith.constant 0 : i32
    %c0_i32_0 = arith.constant 0 : i32
    return %arg0, %c0_i32 : i32, i32
  }
  func.func @transform_5(%arg0: i32) -> (i32, i32) {
    %c0_i32 = arith.constant 0 : i32
    %c0_i32_0 = arith.constant 0 : i32
    %c0_i32_1 = arith.constant 0 : i32
    return %c0_i32, %c0_i32_0 : i32, i32
  }
  func.func @transform_6(%arg0: i32) -> (i32, i32) {
    %c0_i32 = arith.constant 0 : i32
    %c0_i32_0 = arith.constant 0 : i32
    %c0_i32_1 = arith.constant 0 : i32
    return %c0_i32, %c0_i32_0 : i32, i32
  }
  func.func @transform_7(%arg0: i32) -> (i32, i32, i32) {
    %add3A = arith.constant 10 : i32
    %add3A_0 = arith.addi %arg0, %add3A : i32
    %c0_i32 = arith.constant 0 : i32
    %c0_i32_1 = arith.constant 0 : i32
    %c0_i32_2 = arith.constant 0 : i32
    return %add3A_0, %c0_i32, %c0_i32_1 : i32, i32, i32
  }
}

</mosaic_0001>

<sc_bundles>
// kernel: kernel.6.cloned.1.call-start
scs
__scs_entry_jumppad:
0x0: {  	(pc) =	sbr.rel $0x88, $3  }
0x1: {  	(tag) =	ssettag $0x0;
	lr =	simm.s32 $0x1  }
0x2: {  	[smem:$0x3F9D] =	sst lr;
	_ =	strace $0xD0000000  }
0x3: {  	_ = 	snop  }
0x4: {  	_ = 	snop  }
0x5: {  	_ = 	snop  }
0x6: {  	_ = 	snop  }
0x7: {  	_ = 	snop  }
__scs_overlays_trampoline_lowered:
0x8: {  	[smem:$0x3FAC] =	sst s0  }
0x9: {  	[smem:$0x3FAD] =	sst s1  }
0xa: {  	[smem:$0x3FAE] =	sst s2  }
0xb: {  	[smem:$0x3FAF] =	sst s3  }
0xc: {  	[smem:$0x3FB0] =	sst s4  }
0xd: {  	[smem:$0x3FB1] =	sst s5  }
0xe: {  	[smem:$0x3FB2] =	sst s6  }
0xf: {  	[smem:$0x3FB3] =	sst s7  }
0x10: {  	[smem:$0x3FB4] =	sst s8  }
0x11: {  	[smem:$0x3FB5] =	sst s9;
	s0 =	simm.s32 @!p0 $0x0  }
0x12: {  	s1 =	sld [smem:$0x3F9B];
	s0 =	simm.s32 @p0 $0x1  }
0x13: {  	[smem:$0x3FB6] =	sst s0;
	s0 =	simm.s32 @!p1 $0x0  }
0x14: {  	s2 =	sld [smem:$0x3F9A];
	s0 =	simm.s32 @p1 $0x1  }
0x15: {  	[smem:$0x3FB7] =	sst s0;
	s0 =	simm.s32 @!p2 $0x0  }
0x16: {  	s3 =	sld [smem:$0x3FDB];
	s0 =	simm.s32 @p2 $0x1  }
0x17: {  	s4 =	simm.s32 $0x1BF5;
	[smem:$0x3FB9] =	sst s0  }
0x18: {  	s0 =	sld [smem:$0x3F9C];
	_ =	swait.ge [sflag:s4], $0x0  }
0x19: {  	s7 =	sld [smem:$0x3F9D]  }
0x1a: {  	s8 =	sadd.s32 $0xFFFFE003, lr  }
0x1b: {  	s9 =	sadd.s32 $0xFFFFFEF7, lr;
	s5 =	simm.s32 $0xFFFFFFFF;
	p2 =	slt.u32 s8, $0xFFFFF086  }
0x1c: {  	p1 =	slt.u32 s9, $0xF7A;
	s5 =	simm.s32 @!p2 $0x0  }
0x1d: {  	s5 =	simm.s32 @p1 $0x1;
	p0 =	seq.s32 s7, s2  }
0x1e: {  	s7 =	smul.u32 @!p0 $0xF7A, s2;
	p2 =	seq.s32 @!p0 s5, $0x0  }
0x1f: {  	s9 =	smul.u32 $0xF7A, s1;
	s8 =	simm.s32 @!p0 $0x1BF5;
	p2 =	por !p2, p0  }
0x20: {  	[sflag:s8] =	ssyncset.s32 @!p0 $0xFFFFF086;
	s6 =	sadd.s32 @!p0 s3, s7;
	s7 =	simm.s32 @!p0 $0x108  }
0x21: {  	s3 =	sadd.s32 s3, s9;
	s6 =	sadd.s32 @!p0 $0x88, s6;
	s7 =	simm.s32 @p2 $0x1082  }
0x22: {  	[simem:s7], [sflag:s8] =	dma.local @!p0 [hbm:s6], $0xF7A  }
0x23: {  	s9 =	sor.u32 $0xD0000000, s2;
	s6 =	simm.s32 $0x108;
	_ =	swait.ge @!p0 [sflag:s8], $0x0  }
0x24: {  	s3 =	sadd.s32 $0x88, s3;
	s6 =	simm.s32 @!p1 $0x1082;
	[sflag:s4] =	ssyncset.s32 $0xFFFFF086  }
0x25: {  	[simem:s6], [sflag:s4] =	dma.local [hbm:s3], $0xF7A  }
0x26: {  	[smem:$0x3F9D] =	sst s1;
	(tag) =	ssettag s2;
	_ =	strace s9  }
0x27: {  	s1 =	sld [smem:$0x3FAD]  }
0x28: {  	s2 =	sld [smem:$0x3FAE]  }
0x29: {  	s4 =	sld [smem:$0x3FB0]  }
0x2a: {  	p0 =	seq.s32 s5, $0x0;
	s5 =	sld [smem:$0x3FB1]  }
0x2b: {  	s6 =	sld [smem:$0x3FB2]  }
0x2c: {  	s7 =	sld [smem:$0x3FB3]  }
0x2d: {  	s3 =	simm.s32 $0x108;
	s8 =	sld [smem:$0x3FB4]  }
0x2e: {  	s3 =	simm.s32 @!p0 $0x1082;
	s9 =	sld [smem:$0x3FB5]  }
0x2f: {  	lr =	sadd.s32 s0, s3;
	s0 =	sld [smem:$0x3FAC]  }
0x30: {  	s3 =	sld [smem:$0x3FAF]  }
0x31: {  	[smem:$0x3FB8] =	sst s10  }
0x32: {  	s10 =	sld [smem:$0x3FB6];
	_ =	sdelay $0x3  }
0x33: {  	p0 =	seq.s32 s10, $0x1;
	s10 =	sld [smem:$0x3FB8];
	_ =	sdelay $0x3  }
0x34: {  	[smem:$0x3FB8] =	sst s10  }
0x35: {  	s10 =	sld [smem:$0x3FB7];
	_ =	sdelay $0x3  }
0x36: {  	p1 =	seq.s32 s10, $0x1;
	s10 =	sld [smem:$0x3FB8];
	_ =	sdelay $0x3  }
0x37: {  	[smem:$0x3FB8] =	sst s10  }
0x38: {  	s10 =	sld [smem:$0x3FB9]  }
0x39: {  	_ = 	snop;
	(pc) =	sbr.ind lr, $3  }
0x3a: {  	_ = 	snop  }
0x3b: {  	_ = 	snop  }
0x3c: {  	p2 =	seq.s32 s10, $0x1;
	s10 =	sld [smem:$0x3FB8]  }
0x3d: {  	_ =	shalt  }
0x3e: {  	_ =	shalt  }
0x3f: {  	_ =	shalt  }
0x40: {  	_ =	shalt  }
0x41: {  	_ =	shalt  }
0x42: {  	_ =	shalt  }
0x43: {  	_ =	shalt  }
0x44: {  	_ =	shalt  }
0x45: {  	_ =	shalt  }
0x46: {  	_ =	shalt  }
0x47: {  	_ =	shalt  }
0x48: {  	_ =	shalt  }
0x49: {  	_ =	shalt  }
0x4a: {  	_ =	shalt  }
0x4b: {  	_ =	shalt  }
0x4c: {  	_ =	shalt  }
0x4d: {  	_ =	shalt  }
0x4e: {  	_ =	shalt  }
0x4f: {  	_ =	shalt  }
0x50: {  	_ =	shalt  }
0x51: {  	_ =	shalt  }
0x52: {  	_ =	shalt  }
0x53: {  	_ =	shalt  }
0x54: {  	_ =	shalt  }
0x55: {  	_ =	shalt  }
0x56: {  	_ =	shalt  }
0x57: {  	_ =	shalt  }
0x58: {  	_ =	shalt  }
0x59: {  	_ =	shalt  }
0x5a: {  	_ =	shalt  }
0x5b: {  	_ =	shalt  }
0x5c: {  	_ =	shalt  }
0x5d: {  	_ =	shalt  }
0x5e: {  	_ =	shalt  }
0x5f: {  	_ =	shalt  }
0x60: {  	_ =	shalt  }
0x61: {  	_ =	shalt  }
0x62: {  	_ =	shalt  }
0x63: {  	_ =	shalt  }
0x64: {  	_ =	shalt  }
0x65: {  	_ =	shalt  }
0x66: {  	_ =	shalt  }
0x67: {  	_ =	shalt  }
0x68: {  	_ =	shalt  }
0x69: {  	_ =	shalt  }
0x6a: {  	_ =	shalt  }
0x6b: {  	_ =	shalt  }
0x6c: {  	_ =	shalt  }
0x6d: {  	_ =	shalt  }
0x6e: {  	_ =	shalt  }
0x6f: {  	_ =	shalt  }
0x70: {  	_ =	shalt  }
0x71: {  	_ =	shalt  }
0x72: {  	_ =	shalt  }
0x73: {  	_ =	shalt  }
0x74: {  	_ =	shalt  }
0x75: {  	_ =	shalt  }
0x76: {  	_ =	shalt  }
0x77: {  	_ =	shalt  }
0x78: {  	_ =	shalt  }
0x79: {  	_ =	shalt  }
0x7a: {  	_ =	shalt  }
0x7b: {  	_ =	shalt  }
0x7c: {  	_ =	shalt  }
0x7d: {  	_ =	shalt  }
0x7e: {  	_ =	shalt  }
0x7f: {  	_ =	shalt  }
0x80: {  	_ =	shalt  }
0x81: {  	_ =	shalt  }
0x82: {  	_ =	shalt  }
0x83: {  	_ =	shalt  }
0x84: {  	_ =	shalt  }
0x85: {  	_ =	shalt  }
0x86: {  	_ =	shalt  }
0x87: {  	_ =	shalt  }
.Lfunc_end0:
.L_simem_size_0:
called_computation.1_lowered:
.L_overlay_start_0:
0x88: {  	s2 =	sld [smem:$0x3FD9]  }
0x89: {  	s3 =	sld [smem:$0x3FFE];
	_ =	sdelay $0x1  }
0x8a: {  	s1 =	srdreg.scid  }
0x8b: {  	s0 =	sand.u32 $0x1, s1  }
0x8c: {  	s16 =	sshll.u32 s0, $0xA;
	s2 =	sadd.s32 s3, s2  }
0x8d: {  	s2 =	sadd.s32 s2, s16  }
0x8e: {  	[smem:$0x3FC4] =	sst s2  }
0x8f: {  	_ = 	snop  }
0x90: {  	(tm) =	ssettm $0x1  }
0x91: {  	s17 =	sld [smem:$0x3FFB];
	_ =	sdelay $0x3  }
0x92: {  	_ =	strace s17  }
0x93: {  	s2 =	sld [smem:$0x3FFC];
	_ =	sdelay $0x3  }
0x94: {  	_ =	strace s2  }
0x95: {  	s2 =	sld [smem:$0x3FFD];
	_ =	sdelay $0x3  }
0x96: {  	_ =	strace s2  }
0x97: {  	_ =	strace $0x8FFFFFFF  }
0x98: {  	s18 =	sld [smem:$0x3FDB];
	_ =	sdelay $0x1  }
0x99: {  	s19 =	simm.s32 $_scs_section_size  }
0x9a: {  	s4 =	simm.s32 $_size__tile_overlayer_lowered;
	s5 =	simm.s32 $_tile_overlayer_lowered  }
0x9b: {  	s22 =	simm.s32 $0x1BFF;
	s21 =	sshll.u32 s5, $0x1;
	s2 =	sadd.s32 s19, s18  }
0x9c: {  	s6 =	simm.s32 $0x0;
	s20 =	sshll.u32 s4, $0x1;
	s4 =	sadd.s32 s21, s2  }
0x9d: {  	[timem:s6], [sflag:s22] =	dma.local [hbm:s4], s20  }
0x9e: {  	_ =	swait.ge [sflag:s22], s20  }
0x9f: {  	s3 =	ssub.s32 $0x0, s20;
	[sflag:s22] =	ssyncset.done $0x0  }
0xa0: {  	[sflag:s22] =	ssyncadd.s32 s3;
	_ =	sdelay $0x1  }
0xa1: {  	s23 =	simm.s32 $0x1B8B  }
0xa2: {  	_ =	swait.ge [sflag:s23], $0x1  }
0xa3: {  	[sflag:s23] =	ssyncset.done $0x0  }
0xa4: {  	s25 =	simm.s32 $0x1B8E;
	s24 =	sld [smem:$0x3FFE];
	[sflag:s23] =	ssyncadd.s32 $0xFFFFFFFF  }
0xa5: {  	s26 =	simm.s32 $execute0_lowered;
	[smem:$0x3FD2] =	sst s25  }
0xa6: {  	s4 =	sshll.u32 s26, $0x1;
	_ =	strace $0x80000046;
	[dreg:$0x1] =	wrdreg $0xFFFFFFFF  }
0xa7: {  	s28 =	simm.s32 $_size_execute0_lowered;
	s2 =	sadd.s32 s2, s4;
	[dreg:$0x0] =	wrdreg $0x0  }
0xa8: {  	s4 =	sshll.u32 s28, $0x1;
	[dreg:$0x2] =	wrdreg s2  }
0xa9: {  	[dreg:$0x3] =	wrdreg s4  }
0xaa: {  	[dreg:$0x4] =	wrdreg $0xC0  }
0xab: {  	_ =	task [dreg:s6], $0x5FFFF  }
0xac: {  	[dreg:$0x1] =	wrdreg $0xFFFFFFFF  }
0xad: {  	[dreg:$0x0] =	wrdreg $0x60  }
0xae: {  	[dreg:$0x2] =	wrdreg s24  }
0xaf: {  	[dreg:$0x3] =	wrdreg $0x9  }
0xb0: {  	_ =	task.clear_ibuf [dreg:s6], $0x4FFFF;
	_ =	strace $0x90000046  }
0xb1: {  	s29 =	simm.s32 $0x9;
	_ =	strace $0x80000048  }
0xb2: {  	_ =	swait.ge [sflag:s29], $0x1  }
0xb3: {  	[sflag:s29] =	ssyncadd.s32 $0xFFFFFFFF  }
0xb4: {  	_ =	strace $0x90000048  }
0xb5: {  	_ =	sfence  }
0xb6: {  	s30 =	sld [smem:$0x0];
	_ =	sdelay $0x2  }
0xb7: {  	s31 =	sshll.u32 s1, $0xD;
	s1 =	sshrl.u32 s1, $0x2  }
0xb8: {  	s3 =	sand.u32 $0x4000, s31;
	s1 =	sadd.s32 s1, s30  }
0xb9: {  	s0 =	sor.u32 s3, s0;
	s1 =	sshll.u32 s1, $0x11  }
0xba: {  	s0 =	sor.u32 s1, s0  }
0xbb: {  	s0 =	sadd.s32 $0x8F2B, s0  }
0xbc: {  	[sflag:s0] =	ssyncadd.remote.s32 $0x1  }
0xbd: {  	_ =	sfence.sel $0xFFFF  }
0xbe: {  	[dreg:$0x0] =	wrdreg $0xFFFFFFFF;
	(pc) =	sbr.abs _section_cstart, $3  }
0xbf: {  	[dreg:$0x1] =	wrdreg $0xFFFFFFFF  }
0xc0: {  	_ =	task.clear_ibuf [dreg:s6], $0x2FFFF;
	_ =	strace $0x9FFFFFFF  }
0xc1: {  	(tm) =	ssettm $0x7FFFFFFF  }
tec
execute0_lowered:
.L_overlay_start_1:
0x0: {  	(tag) =	ssettag $0x1  }
0x1: {  	s1 =	srdreg.scid  }
0x2: {  	s0 =	stileid.u32;
	s4 =	rddreg [dreg:$0x0];
	s2 =	simm.s32 $0x0  }
0x3: {  	s13 =	simm.s32 $0x1;
	s14 =	simm.s32 $0x2;
	s15 =	simm.s32 $0x0  }
0x4: {  	s5 =	sand.u32 $0x1, s1;
	s1 =	rddreg [dreg:$0x1];
	s9 =	smul.u32 $0xC8000, s0  }
0x5: {  	s3 =	sshll.u32 s0, $0x1;
	[smem:$0x7FF] =	sst s2;
	s12 =	smul.u32 $0x19000, s0  }
0x6: {  	s10 =	sadd.s32 $0xC400, s4;
	s3 =	sor.u32 s5, s3;
	s11 =	smul.u32 $0x64000, s5  }
0x7: {  	_ =	strace $0x80000047;
	s8 =	ssub.s32 $0x2, s5;
	s28 =	smul.u32 $0xC800, s5  }
0x8: {  	s6 =	sshll.u32 s3, $0x9;
	s7 =	smul.u32 $0x64000, s3;
	s3 =	sadd.s32 $0xF4E800, s4  }
0x9: {  	s25 =	sshrl.u32 s8, $0x1;
	s29 =	sadd.s32 s12, s10;
	s12 =	simm.s32 $0x5000  }
0xa: {  	s6 =	sadd.s32 s6, s4;
	s8 =	ssub.s32 s8, s25;
	s9 =	sadd.s32 s11, s9  }
0xb: {  	s31 =	sadd.s32 s28, s29;
	s11 =	simm.s32 $0x80;
	s7 =	sshrl.u32 s7, $0x3  }
0xc: {  	s4 =	sadd.s32 $0x8400, s6;
	s6 =	smax.u32 s8, $0x1;
	s30 =	sshrl.u32 s9, $0x3  }
0xd: {  	s8 =	sadd.s32 $0x800, s31;
	s9 =	simm.s32 $0x3;
	s26 =	sadd.s32 s10, s7  }
0xe: {  	s7 =	sadd.s32 s30, s10;
	s10 =	simm.s32 $0x1000;
	s5 =	sadd.s32 $0xC000, s26  }
.LBB2_1:
0xf: {  	[tilespmem:s2], [sflag:$0x3] =	stream.linear.gather [hbm4b:s4+s2], $0x1000, $0x38;
	[tilespmem:$0x9000] =	vst v63  }
0x10: {  	_ =	swait.ge [sflag:s9], $0x1000  }
0x11: {  	[sflag:s9] =	ssyncset.done $0x0  }
0x12: {  	[sflag:s9] =	ssyncadd.s32 $0xFFFFF000  }
0x13: {  	[tilespmem:s10], [sflag:$0x1] =	stream.indirect.gather [hbm4b:s3+s11], $0x80, s2, s11, $0xb8;
	[tilespmem:$0x9000] =	vst v63  }
0x14: {  	_ = 	snop  }
0x15: {  	[tilespmem:s12], [sflag:$0x2] =	stream.indirect.gather [hbm4b:s3+s11], $0x80, s11, s11, $0xb8;
	[tilespmem:$0x9000] =	vst v63  }
0x16: {  	_ =	swait.ge [sflag:s13], $0x4000  }
0x17: {  	[sflag:s13] =	ssyncset.done $0x0  }
0x18: {  	s16 =	sadd.s32 $0x0, s7;
	[sflag:s13] =	ssyncadd.s32 $0xFFFFC000  }
0x19: {  	[hbm4b:s16+s2] =	stream.linear.scatter [tilespmem:s10], [sflag:$0x3], $0x4000, $0x38;
	[tilespmem:$0x9000] =	vst v63  }
0x1a: {  	_ =	swait.ge [sflag:s9], $0x4000  }
0x1b: {  	[sflag:s9] =	ssyncset.done $0x0  }
0x1c: {  	s30 =	simm.s32 $0x100;
	[sflag:s9] =	ssyncadd.s32 $0xFFFFC000  }
0x1d: {  	[tilespmem:s10], [sflag:$0x1] =	stream.indirect.gather [hbm4b:s3+s11], $0x80, s30, s11, $0xb8;
	[tilespmem:$0x9000] =	vst v63  }
0x1e: {  	_ =	swait.ge [sflag:s14], $0x4000  }
0x1f: {  	[sflag:s14] =	ssyncset.done $0x0  }
0x20: {  	s31 =	sadd.s32 $0x0, s8;
	[sflag:s14] =	ssyncadd.s32 $0xFFFFC000  }
0x21: {  	[hbm4b:s31+s2] =	stream.linear.scatter [tilespmem:s12], [sflag:$0x3], $0x4000, $0x38;
	[tilespmem:$0x9000] =	vst v63  }
0x22: {  	_ =	swait.ge [sflag:s9], $0x4000  }
0x23: {  	s17 =	simm.s32 $0x80;
	s16 =	simm.s32 $0x1000;
	[sflag:s9] =	ssyncset.done $0x0  }
.LBB2_2:
0x24: {  	p0 =	sne.s32 s16, $0xB000;
	[sflag:s9] =	ssyncadd.s32 $0xFFFFC000;
	s17 =	sadd.s32 $0x100, s17  }
0x25: {  	[tilespmem:s12], [sflag:$0x2] =	stream.indirect.gather [hbm4b:s3+s11], $0x80, s17, s11, $0xb8;
	[tilespmem:$0x9000] =	vst v63  }
0x26: {  	s18 =	smov.u32 s16;
	s16 =	sadd.s32 $0x1000, s16;
	_ =	swait.ge [sflag:s13], $0x4000  }
0x27: {  	[sflag:s13] =	ssyncset.done $0x0  }
0x28: {  	s19 =	sadd.s32 s18, s7;
	[sflag:s13] =	ssyncadd.s32 $0xFFFFC000  }
0x29: {  	[hbm4b:s19+s2] =	stream.linear.scatter [tilespmem:s10], [sflag:$0x3], $0x4000, $0x38;
	[tilespmem:$0x9000] =	vst v63  }
0x2a: {  	_ =	swait.ge [sflag:s9], $0x4000  }
0x2b: {  	[sflag:s9] =	ssyncset.done $0x0  }
0x2c: {  	s19 =	sadd.s32 $0x80, s17;
	[sflag:s9] =	ssyncadd.s32 $0xFFFFC000  }
0x2d: {  	[tilespmem:s10], [sflag:$0x1] =	stream.indirect.gather [hbm4b:s3+s11], $0x80, s19, s11, $0xb8;
	[tilespmem:$0x9000] =	vst v63  }
0x2e: {  	_ =	swait.ge [sflag:s14], $0x4000  }
.Ltmp0:
0x2f: {  	[sflag:s14] =	ssyncset.done $0x0;
	(pc) =	sbr.rel @p0 .LBB2_2-.Ltmp0, $4  }
0x30: {  	s18 =	sadd.s32 s18, s8;
	[sflag:s14] =	ssyncadd.s32 $0xFFFFC000  }
0x31: {  	[hbm4b:s18+s2] =	stream.linear.scatter [tilespmem:s12], [sflag:$0x3], $0x4000, $0x38;
	[tilespmem:$0x9000] =	vst v63  }
0x32: {  	_ =	swait.ge [sflag:s9], $0x4000  }
0x33: {  	[sflag:s9] =	ssyncset.done $0x0  }
0x34: {  	[sflag:s9] =	ssyncadd.s32 $0xFFFFC000  }
0x35: {  	s15 =	sadd.s32 $0x1, s15;
	_ =	swait.ge [sflag:s13], $0x4000  }
0x36: {  	p0 =	sne.s32 s15, s6;
	[sflag:s13] =	ssyncset.done $0x0  }
.Ltmp1:
0x37: {  	[sflag:s13] =	ssyncadd.s32 $0xFFFFC000;
	(pc) =	sbr.rel @p0 .LBB2_1-.Ltmp1, $4  }
0x38: {  	[hbm4b:s5+s2] =	stream.linear.scatter [tilespmem:s10], [sflag:$0x3], $0x4000, $0x38;
	[tilespmem:$0x9000] =	vst v63  }
0x39: {  	_ =	swait.ge [sflag:s9], $0x4000  }
0x3a: {  	[sflag:s9] =	ssyncset.done $0x0  }
0x3b: {  	[sflag:s9] =	ssyncadd.s32 $0xFFFFC000  }
0x3c: {  	_ =	sfence.sel $0x180000  }
0x3d: {  	[bflag:$0x0] =	sbarrier.arrive $0xFFFF  }
0x3e: {  	p0 =	sne.s32 s0, $0x0;
	_ =	strace $0x90000047  }
0x3f: {  	s0 =	sadd.s32 @!p0 $0x100000, s1;
	[bflag:$0x2] =	sbarrier.arrive $0xFFFF  }
0x40: {  	[sflag:s0] =	ssyncadd.tile.s32 @!p0 $0x1;
	_ =	shalt  }
.Lfunc_end2:
_tile_overlayer_lowered:
.L_overlay_start_2:
0x41: {  	(tag) =	ssettag $0x2  }
0x42: {  	s0 =	rddreg [dreg:$0x0];
	s2 =	stileid.u32  }
0x43: {  	s1 =	rddreg [dreg:$0x1];
	p0 =	sne.s32 s2, $0x0  }
0x44: {  	s3 =	rddreg [dreg:$0x2];
	[bflag:$0x3] =	sbarrier.arrive $0xFFFF;
	s2 =	simm.s32 @!p0 $0x1C03  }
0x45: {  	[timem:s3], [sflag:s2] =	dma.local @!p0 [hbm:s0], s1  }
0x46: {  	s0 =	simm.s32 @!p0 $0x3  }
0x47: {  	_ =	swait.ge @!p0 [sflag:s0], s1  }
0x48: {  	s1 =	ssub.s32 @!p0 $0x0, s1;
	[sflag:s0] =	ssyncset.done @!p0 $0x0  }
0x49: {  	[sflag:s0] =	ssyncadd.s32 @!p0 s1  }
0x4a: {  	[bflag:$0x3] =	sbarrier.arrive $0xFFFF  }
0x4b: {  	_ =	shalt  }

// kernel: kernel.9.cloned.1.call-start
scs
__scs_entry_jumppad:
0x0: {  	(pc) =	sbr.rel $0x88, $3  }
0x1: {  	(tag) =	ssettag $0x0;
	lr =	simm.s32 $0x1  }
0x2: {  	[smem:$0x3F9D] =	sst lr;
	_ =	strace $0xD0000000  }
0x3: {  	_ = 	snop  }
0x4: {  	_ = 	snop  }
0x5: {  	_ = 	snop  }
0x6: {  	_ = 	snop  }
0x7: {  	_ = 	snop  }
__scs_overlays_trampoline_lowered:
0x8: {  	[smem:$0x3FAC] =	sst s0  }
0x9: {  	[smem:$0x3FAD] =	sst s1  }
0xa: {  	[smem:$0x3FAE] =	sst s2  }
0xb: {  	[smem:$0x3FAF] =	sst s3  }
0xc: {  	[smem:$0x3FB0] =	sst s4  }
0xd: {  	[smem:$0x3FB1] =	sst s5  }
0xe: {  	[smem:$0x3FB2] =	sst s6  }
0xf: {  	[smem:$0x3FB3] =	sst s7  }
0x10: {  	[smem:$0x3FB4] =	sst s8  }
0x11: {  	[smem:$0x3FB5] =	sst s9;
	s0 =	simm.s32 @!p0 $0x0  }
0x12: {  	s1 =	sld [smem:$0x3F9B];
	s0 =	simm.s32 @p0 $0x1  }
0x13: {  	[smem:$0x3FB6] =	sst s0;
	s0 =	simm.s32 @!p1 $0x0  }
0x14: {  	s2 =	sld [smem:$0x3F9A];
	s0 =	simm.s32 @p1 $0x1  }
0x15: {  	[smem:$0x3FB7] =	sst s0;
	s0 =	simm.s32 @!p2 $0x0  }
0x16: {  	s3 =	sld [smem:$0x3FDB];
	s0 =	simm.s32 @p2 $0x1  }
0x17: {  	s4 =	simm.s32 $0x1BF5;
	[smem:$0x3FB9] =	sst s0  }
0x18: {  	s0 =	sld [smem:$0x3F9C];
	_ =	swait.ge [sflag:s4], $0x0  }
0x19: {  	s7 =	sld [smem:$0x3F9D]  }
0x1a: {  	s8 =	sadd.s32 $0xFFFFE003, lr  }
0x1b: {  	s9 =	sadd.s32 $0xFFFFFEF7, lr;
	s5 =	simm.s32 $0xFFFFFFFF;
	p2 =	slt.u32 s8, $0xFFFFF086  }
0x1c: {  	p1 =	slt.u32 s9, $0xF7A;
	s5 =	simm.s32 @!p2 $0x0  }
0x1d: {  	s5 =	simm.s32 @p1 $0x1;
	p0 =	seq.s32 s7, s2  }
0x1e: {  	s7 =	smul.u32 @!p0 $0xF7A, s2;
	p2 =	seq.s32 @!p0 s5, $0x0  }
0x1f: {  	s9 =	smul.u32 $0xF7A, s1;
	s8 =	simm.s32 @!p0 $0x1BF5;
	p2 =	por !p2, p0  }
0x20: {  	[sflag:s8] =	ssyncset.s32 @!p0 $0xFFFFF086;
	s6 =	sadd.s32 @!p0 s3, s7;
	s7 =	simm.s32 @!p0 $0x108  }
0x21: {  	s3 =	sadd.s32 s3, s9;
	s6 =	sadd.s32 @!p0 $0x88, s6;
	s7 =	simm.s32 @p2 $0x1082  }
0x22: {  	[simem:s7], [sflag:s8] =	dma.local @!p0 [hbm:s6], $0xF7A  }
0x23: {  	s9 =	sor.u32 $0xD0000000, s2;
	s6 =	simm.s32 $0x108;
	_ =	swait.ge @!p0 [sflag:s8], $0x0  }
0x24: {  	s3 =	sadd.s32 $0x88, s3;
	s6 =	simm.s32 @!p1 $0x1082;
	[sflag:s4] =	ssyncset.s32 $0xFFFFF086  }
0x25: {  	[simem:s6], [sflag:s4] =	dma.local [hbm:s3], $0xF7A  }
0x26: {  	[smem:$0x3F9D] =	sst s1;
	(tag) =	ssettag s2;
	_ =	strace s9  }
0x27: {  	s1 =	sld [smem:$0x3FAD]  }
0x28: {  	s2 =	sld [smem:$0x3FAE]  }
0x29: {  	s4 =	sld [smem:$0x3FB0]  }
0x2a: {  	p0 =	seq.s32 s5, $0x0;
	s5 =	sld [smem:$0x3FB1]  }
0x2b: {  	s6 =	sld [smem:$0x3FB2]  }
0x2c: {  	s7 =	sld [smem:$0x3FB3]  }
0x2d: {  	s3 =	simm.s32 $0x108;
	s8 =	sld [smem:$0x3FB4]  }
0x2e: {  	s3 =	simm.s32 @!p0 $0x1082;
	s9 =	sld [smem:$0x3FB5]  }
0x2f: {  	lr =	sadd.s32 s0, s3;
	s0 =	sld [smem:$0x3FAC]  }
0x30: {  	s3 =	sld [smem:$0x3FAF]  }
0x31: {  	[smem:$0x3FB8] =	sst s10  }
0x32: {  	s10 =	sld [smem:$0x3FB6];
	_ =	sdelay $0x3  }
0x33: {  	p0 =	seq.s32 s10, $0x1;
	s10 =	sld [smem:$0x3FB8];
	_ =	sdelay $0x3  }
0x34: {  	[smem:$0x3FB8] =	sst s10  }
0x35: {  	s10 =	sld [smem:$0x3FB7];
	_ =	sdelay $0x3  }
0x36: {  	p1 =	seq.s32 s10, $0x1;
	s10 =	sld [smem:$0x3FB8];
	_ =	sdelay $0x3  }
0x37: {  	[smem:$0x3FB8] =	sst s10  }
0x38: {  	s10 =	sld [smem:$0x3FB9]  }
0x39: {  	_ = 	snop;
	(pc) =	sbr.ind lr, $3  }
0x3a: {  	_ = 	snop  }
0x3b: {  	_ = 	snop  }
0x3c: {  	p2 =	seq.s32 s10, $0x1;
	s10 =	sld [smem:$0x3FB8]  }
0x3d: {  	_ =	shalt  }
0x3e: {  	_ =	shalt  }
0x3f: {  	_ =	shalt  }
0x40: {  	_ =	shalt  }
0x41: {  	_ =	shalt  }
0x42: {  	_ =	shalt  }
0x43: {  	_ =	shalt  }
0x44: {  	_ =	shalt  }
0x45: {  	_ =	shalt  }
0x46: {  	_ =	shalt  }
0x47: {  	_ =	shalt  }
0x48: {  	_ =	shalt  }
0x49: {  	_ =	shalt  }
0x4a: {  	_ =	shalt  }
0x4b: {  	_ =	shalt  }
0x4c: {  	_ =	shalt  }
0x4d: {  	_ =	shalt  }
0x4e: {  	_ =	shalt  }
0x4f: {  	_ =	shalt  }
0x50: {  	_ =	shalt  }
0x51: {  	_ =	shalt  }
0x52: {  	_ =	shalt  }
0x53: {  	_ =	shalt  }
0x54: {  	_ =	shalt  }
0x55: {  	_ =	shalt  }
0x56: {  	_ =	shalt  }
0x57: {  	_ =	shalt  }
0x58: {  	_ =	shalt  }
0x59: {  	_ =	shalt  }
0x5a: {  	_ =	shalt  }
0x5b: {  	_ =	shalt  }
0x5c: {  	_ =	shalt  }
0x5d: {  	_ =	shalt  }
0x5e: {  	_ =	shalt  }
0x5f: {  	_ =	shalt  }
0x60: {  	_ =	shalt  }
0x61: {  	_ =	shalt  }
0x62: {  	_ =	shalt  }
0x63: {  	_ =	shalt  }
0x64: {  	_ =	shalt  }
0x65: {  	_ =	shalt  }
0x66: {  	_ =	shalt  }
0x67: {  	_ =	shalt  }
0x68: {  	_ =	shalt  }
0x69: {  	_ =	shalt  }
0x6a: {  	_ =	shalt  }
0x6b: {  	_ =	shalt  }
0x6c: {  	_ =	shalt  }
0x6d: {  	_ =	shalt  }
0x6e: {  	_ =	shalt  }
0x6f: {  	_ =	shalt  }
0x70: {  	_ =	shalt  }
0x71: {  	_ =	shalt  }
0x72: {  	_ =	shalt  }
0x73: {  	_ =	shalt  }
0x74: {  	_ =	shalt  }
0x75: {  	_ =	shalt  }
0x76: {  	_ =	shalt  }
0x77: {  	_ =	shalt  }
0x78: {  	_ =	shalt  }
0x79: {  	_ =	shalt  }
0x7a: {  	_ =	shalt  }
0x7b: {  	_ =	shalt  }
0x7c: {  	_ =	shalt  }
0x7d: {  	_ =	shalt  }
0x7e: {  	_ =	shalt  }
0x7f: {  	_ =	shalt  }
0x80: {  	_ =	shalt  }
0x81: {  	_ =	shalt  }
0x82: {  	_ =	shalt  }
0x83: {  	_ =	shalt  }
0x84: {  	_ =	shalt  }
0x85: {  	_ =	shalt  }
0x86: {  	_ =	shalt  }
0x87: {  	_ =	shalt  }
.Lfunc_end0:
.L_simem_size_0:
called_computation.2_lowered:
.L_overlay_start_0:
0x88: {  	s2 =	sld [smem:$0x3FD9]  }
0x89: {  	s3 =	sld [smem:$0x3FFE];
	_ =	sdelay $0x1  }
0x8a: {  	s1 =	srdreg.scid  }
0x8b: {  	s0 =	sand.u32 $0x1, s1  }
0x8c: {  	s17 =	sshll.u32 s0, $0xA;
	s2 =	sadd.s32 s3, s2  }
0x8d: {  	s2 =	sadd.s32 s2, s17  }
0x8e: {  	[smem:$0x3FC4] =	sst s2  }
0x8f: {  	_ = 	snop  }
0x90: {  	s18 =	sld [smem:$0x3FD0];
	(tm) =	ssettm $0x1  }
0x91: {  	s19 =	sld [smem:$0x3FFB];
	_ =	sdelay $0x3  }
0x92: {  	_ =	strace s19  }
0x93: {  	s2 =	sld [smem:$0x3FFC];
	_ =	sdelay $0x3  }
0x94: {  	_ =	strace s2  }
0x95: {  	s2 =	sld [smem:$0x3FFD];
	_ =	sdelay $0x3  }
0x96: {  	_ =	strace s2  }
0x97: {  	_ =	strace $0x8FFFFFFF  }
0x98: {  	s20 =	sld [smem:$0x3FDB];
	_ =	sdelay $0x1  }
0x99: {  	s4 =	simm.s32 $_scs_section_size  }
0x9a: {  	s5 =	simm.s32 $_size__tile_overlayer_lowered;
	s6 =	simm.s32 $_tile_overlayer_lowered  }
0x9b: {  	s7 =	simm.s32 $0x1BFF;
	s21 =	sshll.u32 s6, $0x1;
	s4 =	sadd.s32 s4, s20  }
0x9c: {  	s22 =	simm.s32 $0x0;
	s5 =	sshll.u32 s5, $0x1;
	s6 =	sadd.s32 s21, s4  }
0x9d: {  	[timem:s22], [sflag:s7] =	dma.local [hbm:s6], s5  }
0x9e: {  	_ =	swait.ge [sflag:s7], s5  }
0x9f: {  	s5 =	ssub.s32 $0x0, s5;
	[sflag:s7] =	ssyncset.done $0x0  }
0xa0: {  	[sflag:s7] =	ssyncadd.s32 s5;
	_ =	sdelay $0x1  }
0xa1: {  	s23 =	simm.s32 $0x1B8B  }
0xa2: {  	_ =	swait.ge [sflag:s23], $0x1  }
0xa3: {  	[sflag:s23] =	ssyncset.done $0x0  }
0xa4: {  	[sflag:s23] =	ssyncadd.s32 $0xFFFFFFFF  }
0xa5: {  	s5 =	sld [smem:$0x0]  }
0xa6: {  	s6 =	sand.u32 $0xFFFFFFFE, s1  }
0xa7: {  	p0 =	sne.s32 s1, s6  }
0xa8: {  	s6 =	sshll.u32 @p0 s6, $0xE  }
0xa9: {  	s6 =	sadd.s32 @p0 $0x11B8D, s6;
	s7 =	sshll.u32 @p0 s5, $0x11  }
0xaa: {  	s6 =	sor.u32 @p0 s7, s6  }
0xab: {  	[sflag:s6] =	ssyncadd.remote.s32 @p0 $0x1;
	_ =	sdelay $0x1  }
0xac: {  	s6 =	simm.s32 @p0 $0x1B8D  }
0xad: {  	_ =	swait.eq @p0 [sflag:s6], $0x1  }
0xae: {  	[sflag:s6] =	ssyncadd.s32 @p0 $0xFFFFFFFF  }
0xaf: {  	s7 =	sshll.u32 @!p0 s1, $0xE  }
0xb0: {  	s7 =	sor.u32 @!p0 $0x4000, s7;
	s6 =	simm.s32 @!p0 $0x1B8D  }
0xb1: {  	s5 =	sshll.u32 @!p0 s5, $0x11;
	s7 =	sadd.s32 @!p0 $0x11B8D, s7;
	_ =	swait.eq @!p0 [sflag:s6], $0x1  }
0xb2: {  	s5 =	sor.u32 @!p0 s5, s7;
	[sflag:s6] =	ssyncadd.s32 @!p0 $0xFFFFFFFF  }
0xb3: {  	s25 =	simm.s32 $0x1B8E;
	s24 =	sld [smem:$0x3FFE];
	[sflag:s5] =	ssyncadd.remote.s32 @!p0 $0x1  }
0xb4: {  	s26 =	simm.s32 $execute0_lowered;
	[smem:$0x3FD2] =	sst s25  }
0xb5: {  	s6 =	sshll.u32 s26, $0x1;
	_ =	strace $0x80000049;
	[dreg:$0x1] =	wrdreg $0xFFFFFFFF  }
0xb6: {  	s28 =	simm.s32 $_size_execute0_lowered;
	s4 =	sadd.s32 s4, s6;
	[dreg:$0x0] =	wrdreg $0x0  }
0xb7: {  	s6 =	sshll.u32 s28, $0x1;
	[dreg:$0x2] =	wrdreg s4  }
0xb8: {  	[dreg:$0x3] =	wrdreg s6  }
0xb9: {  	[dreg:$0x4] =	wrdreg $0xC0  }
0xba: {  	_ =	task [dreg:s22], $0x5FFFF  }
0xbb: {  	[dreg:$0x1] =	wrdreg $0xFFFFFFFF  }
0xbc: {  	[dreg:$0x0] =	wrdreg $0x60  }
0xbd: {  	[dreg:$0x2] =	wrdreg s24  }
0xbe: {  	[dreg:$0x3] =	wrdreg s18  }
0xbf: {  	[dreg:$0x4] =	wrdreg $0xA  }
0xc0: {  	_ =	task.clear_ibuf [dreg:s22], $0x5FFFF;
	_ =	strace $0x90000049  }
0xc1: {  	s29 =	simm.s32 $0xA;
	_ =	strace $0x8000004B  }
0xc2: {  	_ =	swait.ge [sflag:s29], $0x1  }
0xc3: {  	[sflag:s29] =	ssyncadd.s32 $0xFFFFFFFF  }
0xc4: {  	_ =	strace $0x9000004B  }
0xc5: {  	_ =	sfence  }
0xc6: {  	s30 =	sld [smem:$0x0];
	_ =	sdelay $0x2  }
0xc7: {  	s31 =	sshll.u32 s1, $0xD;
	s1 =	sshrl.u32 s1, $0x2  }
0xc8: {  	s4 =	sand.u32 $0x4000, s31;
	s1 =	sadd.s32 s1, s30  }
0xc9: {  	s0 =	sor.u32 s4, s0;
	s1 =	sshll.u32 s1, $0x11  }
0xca: {  	s0 =	sor.u32 s1, s0  }
0xcb: {  	s0 =	sadd.s32 $0x8F2B, s0  }
0xcc: {  	[sflag:s0] =	ssyncadd.remote.s32 $0x1  }
0xcd: {  	_ =	sfence.sel $0xFFFF  }
0xce: {  	[dreg:$0x0] =	wrdreg $0xFFFFFFFF;
	(pc) =	sbr.abs _section_cstart, $3  }
0xcf: {  	[dreg:$0x1] =	wrdreg $0xFFFFFFFF  }
0xd0: {  	_ =	task.clear_ibuf [dreg:s22], $0x2FFFF;
	_ =	strace $0x9FFFFFFF  }
0xd1: {  	(tm) =	ssettm $0x7FFFFFFF  }
tec
execute0_lowered:
.L_overlay_start_1:
0x0: {  	(tag) =	ssettag $0x1  }
0x1: {  	s3 =	rddreg [dreg:$0x0]  }
0x2: {  	s7 =	rddreg [dreg:$0x1]  }
0x3: {  	s0 =	rddreg [dreg:$0x2];
	s4 =	srdreg.scid  }
0x4: {  	s1 =	stileid.u32;
	s2 =	simm.s32 $0x0;
	s13 =	simm.s32 $0x1  }
0x5: {  	s14 =	simm.s32 $0x2;
	s15 =	simm.s32 $0x0;
	s9 =	smul.u32 $0xC8000, s1  }
0x6: {  	s5 =	sand.u32 $0x1, s4;
	s24 =	sshll.u32 s1, $0x1;
	s12 =	smul.u32 $0x19000, s1  }
0x7: {  	[smem:$0x7FF] =	sst s2;
	s4 =	sor.u32 s5, s24;
	s11 =	smul.u32 $0x64000, s5  }
0x8: {  	_ =	strace $0x8000004A;
	s8 =	ssub.s32 $0x2, s5;
	s28 =	smul.u32 $0xC800, s5  }
0x9: {  	s6 =	sshll.u32 s4, $0x9;
	s4 =	smul.u32 $0x64000, s4;
	s10 =	sshrl.u32 s8, $0x1  }
0xa: {  	s29 =	sadd.s32 s12, s7;
	s12 =	simm.s32 $0x5000;
	s6 =	sadd.s32 s6, s3  }
0xb: {  	s3 =	sadd.s32 $0xF4E800, s3;
	s8 =	ssub.s32 s8, s10;
	s9 =	sadd.s32 s11, s9  }
0xc: {  	s31 =	sadd.s32 s28, s29;
	s10 =	simm.s32 $0x1000;
	s11 =	simm.s32 $0x80  }
0xd: {  	s25 =	sshrl.u32 s4, $0x3;
	s4 =	sadd.s32 $0x19C400, s6;
	s6 =	smax.u32 s8, $0x1  }
0xe: {  	s30 =	sshrl.u32 s9, $0x3;
	s8 =	sadd.s32 $0x800, s31;
	s26 =	sadd.s32 s7, s25  }
0xf: {  	s9 =	simm.s32 $0x3;
	s7 =	sadd.s32 s30, s7;
	s5 =	sadd.s32 $0xC000, s26  }
.LBB2_1:
0x10: {  	[tilespmem:s2], [sflag:$0x3] =	stream.linear.gather [hbm4b:s4+s2], $0x1000, $0x38;
	[tilespmem:$0x9000] =	vst v63  }
0x11: {  	_ =	swait.ge [sflag:s9], $0x1000  }
0x12: {  	[sflag:s9] =	ssyncset.done $0x0  }
0x13: {  	[sflag:s9] =	ssyncadd.s32 $0xFFFFF000  }
0x14: {  	[tilespmem:s10], [sflag:$0x1] =	stream.indirect.gather [hbm4b:s3+s11], $0x80, s2, s11, $0xb8;
	[tilespmem:$0x9000] =	vst v63  }
0x15: {  	_ = 	snop  }
0x16: {  	[tilespmem:s12], [sflag:$0x2] =	stream.indirect.gather [hbm4b:s3+s11], $0x80, s11, s11, $0xb8;
	[tilespmem:$0x9000] =	vst v63  }
0x17: {  	_ =	swait.ge [sflag:s13], $0x4000  }
0x18: {  	[sflag:s13] =	ssyncset.done $0x0  }
0x19: {  	s16 =	sadd.s32 $0x0, s7;
	[sflag:s13] =	ssyncadd.s32 $0xFFFFC000  }
0x1a: {  	[hbm4b:s16+s2] =	stream.linear.scatter [tilespmem:s10], [sflag:$0x3], $0x4000, $0x38;
	[tilespmem:$0x9000] =	vst v63  }
0x1b: {  	_ =	swait.ge [sflag:s9], $0x4000  }
0x1c: {  	[sflag:s9] =	ssyncset.done $0x0  }
0x1d: {  	s30 =	simm.s32 $0x100;
	[sflag:s9] =	ssyncadd.s32 $0xFFFFC000  }
0x1e: {  	[tilespmem:s10], [sflag:$0x1] =	stream.indirect.gather [hbm4b:s3+s11], $0x80, s30, s11, $0xb8;
	[tilespmem:$0x9000] =	vst v63  }
0x1f: {  	_ =	swait.ge [sflag:s14], $0x4000  }
0x20: {  	[sflag:s14] =	ssyncset.done $0x0  }
0x21: {  	s31 =	sadd.s32 $0x0, s8;
	[sflag:s14] =	ssyncadd.s32 $0xFFFFC000  }
0x22: {  	[hbm4b:s31+s2] =	stream.linear.scatter [tilespmem:s12], [sflag:$0x3], $0x4000, $0x38;
	[tilespmem:$0x9000] =	vst v63  }
0x23: {  	_ =	swait.ge [sflag:s9], $0x4000  }
0x24: {  	s17 =	simm.s32 $0x80;
	s16 =	simm.s32 $0x1000;
	[sflag:s9] =	ssyncset.done $0x0  }
.LBB2_2:
0x25: {  	p0 =	sne.s32 s16, $0xB000;
	[sflag:s9] =	ssyncadd.s32 $0xFFFFC000;
	s17 =	sadd.s32 $0x100, s17  }
0x26: {  	[tilespmem:s12], [sflag:$0x2] =	stream.indirect.gather [hbm4b:s3+s11], $0x80, s17, s11, $0xb8;
	[tilespmem:$0x9000] =	vst v63  }
0x27: {  	s18 =	smov.u32 s16;
	s16 =	sadd.s32 $0x1000, s16;
	_ =	swait.ge [sflag:s13], $0x4000  }
0x28: {  	[sflag:s13] =	ssyncset.done $0x0  }
0x29: {  	s19 =	sadd.s32 s18, s7;
	[sflag:s13] =	ssyncadd.s32 $0xFFFFC000  }
0x2a: {  	[hbm4b:s19+s2] =	stream.linear.scatter [tilespmem:s10], [sflag:$0x3], $0x4000, $0x38;
	[tilespmem:$0x9000] =	vst v63  }
0x2b: {  	_ =	swait.ge [sflag:s9], $0x4000  }
0x2c: {  	[sflag:s9] =	ssyncset.done $0x0  }
0x2d: {  	s19 =	sadd.s32 $0x80, s17;
	[sflag:s9] =	ssyncadd.s32 $0xFFFFC000  }
0x2e: {  	[tilespmem:s10], [sflag:$0x1] =	stream.indirect.gather [hbm4b:s3+s11], $0x80, s19, s11, $0xb8;
	[tilespmem:$0x9000] =	vst v63  }
0x2f: {  	_ =	swait.ge [sflag:s14], $0x4000  }
.Ltmp0:
0x30: {  	[sflag:s14] =	ssyncset.done $0x0;
	(pc) =	sbr.rel @p0 .LBB2_2-.Ltmp0, $4  }
0x31: {  	s18 =	sadd.s32 s18, s8;
	[sflag:s14] =	ssyncadd.s32 $0xFFFFC000  }
0x32: {  	[hbm4b:s18+s2] =	stream.linear.scatter [tilespmem:s12], [sflag:$0x3], $0x4000, $0x38;
	[tilespmem:$0x9000] =	vst v63  }
0x33: {  	_ =	swait.ge [sflag:s9], $0x4000  }
0x34: {  	[sflag:s9] =	ssyncset.done $0x0  }
0x35: {  	[sflag:s9] =	ssyncadd.s32 $0xFFFFC000  }
0x36: {  	s15 =	sadd.s32 $0x1, s15;
	_ =	swait.ge [sflag:s13], $0x4000  }
0x37: {  	p0 =	sne.s32 s15, s6;
	[sflag:s13] =	ssyncset.done $0x0  }
.Ltmp1:
0x38: {  	[sflag:s13] =	ssyncadd.s32 $0xFFFFC000;
	(pc) =	sbr.rel @p0 .LBB2_1-.Ltmp1, $4  }
0x39: {  	[hbm4b:s5+s2] =	stream.linear.scatter [tilespmem:s10], [sflag:$0x3], $0x4000, $0x38;
	[tilespmem:$0x9000] =	vst v63  }
0x3a: {  	_ =	swait.ge [sflag:s9], $0x4000  }
0x3b: {  	[sflag:s9] =	ssyncset.done $0x0  }
0x3c: {  	[sflag:s9] =	ssyncadd.s32 $0xFFFFC000  }
0x3d: {  	_ =	sfence.sel $0x180000  }
0x3e: {  	[bflag:$0x0] =	sbarrier.arrive $0xFFFF  }
0x3f: {  	p0 =	sne.s32 s1, $0x0;
	_ =	strace $0x9000004A  }
0x40: {  	s0 =	sadd.s32 @!p0 $0x100000, s0;
	[bflag:$0x2] =	sbarrier.arrive $0xFFFF  }
0x41: {  	[sflag:s0] =	ssyncadd.tile.s32 @!p0 $0x1;
	_ =	shalt  }
.Lfunc_end2:
_tile_overlayer_lowered:
.L_overlay_start_2:
0x42: {  	(tag) =	ssettag $0x2  }
0x43: {  	s0 =	rddreg [dreg:$0x0];
	s2 =	stileid.u32  }
0x44: {  	s1 =	rddreg [dreg:$0x1];
	p0 =	sne.s32 s2, $0x0  }
0x45: {  	s3 =	rddreg [dreg:$0x2];
	[bflag:$0x3] =	sbarrier.arrive $0xFFFF;
	s2 =	simm.s32 @!p0 $0x1C03  }
0x46: {  	[timem:s3], [sflag:s2] =	dma.local @!p0 [hbm:s0], s1  }
0x47: {  	s0 =	simm.s32 @!p0 $0x3  }
0x48: {  	_ =	swait.ge @!p0 [sflag:s0], s1  }
0x49: {  	s1 =	ssub.s32 @!p0 $0x0, s1;
	[sflag:s0] =	ssyncset.done @!p0 $0x0  }
0x4a: {  	[sflag:s0] =	ssyncadd.s32 @!p0 s1  }
0x4b: {  	[bflag:$0x3] =	sbarrier.arrive $0xFFFF  }
0x4c: {  	_ =	shalt  }

// kernel: sparse-core-data-format-call.cloned.1.call-start
scs
called_computation_lowered:
.L_overlay_start_0:
0x0: {  	s2 =	sld [smem:$0x3FD9]  }
0x1: {  	s3 =	sld [smem:$0x3FFE];
	_ =	sdelay $0x1  }
0x2: {  	s1 =	srdreg.scid  }
0x3: {  	s0 =	sand.u32 $0x1, s1  }
0x4: {  	s18 =	sshll.u32 s0, $0xA;
	s2 =	sadd.s32 s3, s2  }
0x5: {  	s2 =	sadd.s32 s2, s18  }
0x6: {  	[smem:$0x3FC4] =	sst s2  }
0x7: {  	_ = 	snop  }
0x8: {  	s2 =	sld [smem:$0x3FD0];
	(tm) =	ssettm $0x1  }
0x9: {  	s19 =	sld [smem:$0x3FFB];
	_ =	sdelay $0x3  }
0xa: {  	_ =	strace s19  }
0xb: {  	s3 =	sld [smem:$0x3FFC];
	_ =	sdelay $0x3  }
0xc: {  	_ =	strace s3  }
0xd: {  	s3 =	sld [smem:$0x3FFD];
	_ =	sdelay $0x3  }
0xe: {  	_ =	strace s3  }
0xf: {  	_ =	strace $0x8FFFFFFF  }
0x10: {  	s20 =	sld [smem:$0x3FDB];
	_ =	sdelay $0x1  }
0x11: {  	s4 =	simm.s32 $_scs_section_size  }
0x12: {  	s5 =	simm.s32 $_size__tile_overlayer_lowered;
	s6 =	simm.s32 $_tile_overlayer_lowered  }
0x13: {  	s23 =	simm.s32 $0x1BFF;
	s22 =	sshll.u32 s6, $0x1;
	s3 =	sadd.s32 s4, s20  }
0x14: {  	s7 =	simm.s32 $0x0;
	s21 =	sshll.u32 s5, $0x1;
	s5 =	sadd.s32 s22, s3  }
0x15: {  	[timem:s7], [sflag:s23] =	dma.local [hbm:s5], s21  }
0x16: {  	_ =	swait.ge [sflag:s23], s21  }
0x17: {  	s4 =	ssub.s32 $0x0, s21;
	[sflag:s23] =	ssyncset.done $0x0  }
0x18: {  	[sflag:s23] =	ssyncadd.s32 s4;
	_ =	sdelay $0x1  }
0x19: {  	s24 =	simm.s32 $0x1B8B  }
0x1a: {  	_ =	swait.ge [sflag:s24], $0x1  }
0x1b: {  	[sflag:s24] =	ssyncset.done $0x0  }
0x1c: {  	s26 =	simm.s32 $0x1B8E;
	s25 =	sld [smem:$0x3FFE];
	[sflag:s24] =	ssyncadd.s32 $0xFFFFFFFF  }
0x1d: {  	s27 =	simm.s32 $execute0_lowered;
	[smem:$0x3FD2] =	sst s26  }
0x1e: {  	s5 =	sshll.u32 s27, $0x1;
	_ =	strace $0x8000004C;
	[dreg:$0x1] =	wrdreg $0xFFFFFFFF  }
0x1f: {  	s28 =	simm.s32 $_size_execute0_lowered;
	s3 =	sadd.s32 s3, s5;
	[dreg:$0x0] =	wrdreg $0x0  }
0x20: {  	s5 =	sshll.u32 s28, $0x1;
	[dreg:$0x2] =	wrdreg s3  }
0x21: {  	[dreg:$0x3] =	wrdreg s5  }
0x22: {  	[dreg:$0x4] =	wrdreg $0xC0  }
0x23: {  	_ =	task [dreg:s7], $0x5FFFF  }
0x24: {  	[dreg:$0x1] =	wrdreg $0xFFFFFFFF  }
0x25: {  	[dreg:$0x0] =	wrdreg $0x60  }
0x26: {  	[dreg:$0x2] =	wrdreg s25  }
0x27: {  	[dreg:$0x3] =	wrdreg s2  }
0x28: {  	[dreg:$0x4] =	wrdreg $0x9  }
0x29: {  	_ =	task.clear_ibuf [dreg:s7], $0x5FFFF;
	_ =	strace $0x9000004C  }
0x2a: {  	s29 =	simm.s32 $0x9;
	_ =	strace $0x8000004E  }
0x2b: {  	_ =	swait.ge [sflag:s29], $0x1  }
0x2c: {  	[sflag:s29] =	ssyncadd.s32 $0xFFFFFFFF  }
0x2d: {  	_ =	strace $0x9000004E  }
0x2e: {  	_ =	sfence  }
0x2f: {  	s30 =	sld [smem:$0x0];
	_ =	sdelay $0x2  }
0x30: {  	s31 =	sshll.u32 s1, $0xD;
	s1 =	sshrl.u32 s1, $0x2  }
0x31: {  	s3 =	sand.u32 $0x4000, s31;
	s1 =	sadd.s32 s1, s30  }
0x32: {  	s0 =	sor.u32 s3, s0;
	s1 =	sshll.u32 s1, $0x11  }
0x33: {  	s0 =	sor.u32 s1, s0  }
0x34: {  	s0 =	sadd.s32 $0x8F2B, s0  }
0x35: {  	[sflag:s0] =	ssyncadd.remote.s32 $0x1  }
0x36: {  	_ =	sfence.sel $0xFFFF  }
0x37: {  	[dreg:$0x0] =	wrdreg $0xFFFFFFFF;
	(pc) =	sbr.abs _section_cstart, $3  }
0x38: {  	[dreg:$0x1] =	wrdreg $0xFFFFFFFF  }
0x39: {  	_ =	task.clear_ibuf [dreg:s7], $0x2FFFF;
	_ =	strace $0x9FFFFFFF  }
0x3a: {  	(tm) =	ssettm $0x7FFFFFFF  }
0x3b: {  	_ =	shalt  }
tec
execute0_lowered:
.L_overlay_start_1:
0x0: {  	(tag) =	ssettag $0x1  }
0x1: {  	s0 =	stileid.u32;
	s6 =	rddreg [dreg:$0x0]  }
0x2: {  	s2 =	rddreg [dreg:$0x1];
	s5 =	srdreg.scid  }
0x3: {  	s31 =	simm.s32 $0x2;
	s13 =	simm.s32 $0x0;
	s1 =	sshll.u32 s0, $0x7  }
0x4: {  	s14 =	simm.s32 $0x0;
	s12 =	simm.s32 $0x0;
	s3 =	sand.u32 $0x380, s1  }
0x5: {  	s5 =	sshll.u32 s5, $0x4;
	s6 =	sadd.s32 $0x1A0400, s6;
	s4 =	ssub.s32 $0x400, s3  }
0x6: {  	s1 =	rddreg [dreg:$0x2];
	_ =	strace $0x8000004D;
	s7 =	sand.u32 $0x380, s4  }
0x7: {  	s5 =	sand.u32 $0x10, s5;
	p0 =	sne.s32 s7, $0x0;
	s7 =	simm.s32 $0x1  }
.Ltmp0:
0x8: {  	s8 =	sshrl.u32 s4, $0xA;
	s7 =	simm.s32 @!p0 $0x0;
	(pc) =	sbr.rel .LBB1_1-.Ltmp0, $4  }
0x9: {  	s9 =	sor.u32 s0, s5;
	s4 =	simm.s32 $0x1;
	s30 =	sadd.s32 s7, s8  }
0xa: {  	s11 =	smov.u32 s3;
	[sflag:s4] =	ssyncpa.u1 $0x0;
	s5 =	smul.u32 $0x32, s30  }
0xb: {  	[sflag:s31] =	ssyncpa.u1 $0x0;
	p0 =	por $0x0, $0x0;
	s7 =	sshrl.u32 s9, $0x3  }
0xc: {  	s9 =	simm.s32 $0x2000;
	s10 =	smov.u32 s7;
	s8 =	sor.u32 $0x1, s5  }
.LBB1_4:
0xd: {  	s17 =	sand.u32 $0x1F80, s14;
	s13 =	sshll.u32 s13, $0xD  }
0xe: {  	[tilespmem:s16+$0x810 ss:$0x81] =	vst.msk $0xffff, v2;
	s18 =	sshrl.u32 s14, $0x3;
	s31 =	sand.u32 $0x7, s14;
	s17 =	sadd.s32 s2, s17  }
0xf: {  	[tilespmem:s16+$0x1020 ss:$0x81] =	vst.msk $0xffff, v0;
	s18 =	sand.u32 $0xF, s18;
	s14 =	sshll.u32 s31, $0x12;
	s13 =	sadd.s32 s13, s17  }
0x10: {  	[tilespmem:s16+$0x0 ss:$0x81] =	vst.msk $0xffff, v1;
	s14 =	sor.u32 $0x400, s14;
	s13 =	sadd.s32 s18, s13  }
0x11: {  	[hbm4b:s13+s14] =	stream.strided.scatter [tilespmem:s15], [sflag:$0x2], $0x2000, s9, s14, $0x20;
	[tilespmem:$0x8080] =	vst v63  }
.LBB1_5:
0x12: {  	s15 =	sadd.s32 $0x4, s10  }
0x13: {  	s13 =	sadd.s32 $0x400, s11;
	s17 =	smov.u32 s11;
	p2 =	sgt.s32 s15, $0xC7  }
0x14: {  	s17 =	smov.u32 @p2 s13  }
0x15: {  	s15 =	smov.u32 @p2 s7;
	p2 =	sgt.s32 s17, $0x3FF  }
0x16: {  	s17 =	smov.u32 @p2 s3;
	p2 =	sne.s32 s12, s8  }
.Ltmp1:
0x17: {  	p1 =	slt.u32 s12, $0x2;
	(pc) =	sbr.rel @!p2 .LBB1_6-.Ltmp1, $4  }
0x18: {  	s16 =	simm.s32 @!p1 $0x2  }
0x19: {  	s14 =	smov.u32 s11;
	p0 =	por !p0, !p0;
	_ =	swait.ge @!p1 [sflag:s16], $0x2000  }
0x1a: {  	s13 =	smov.u32 s10;
	[sflag:s16] =	ssyncset.done @!p1 $0x0;
	s10 =	smov.u32 s15  }
0x1b: {  	s12 =	sadd.s32 $0x1, s12;
	[sflag:s16] =	ssyncadd.s32 @!p1 $0xFFFFE000;
	s11 =	smov.u32 s17  }
.LBB1_1:
0x1c: {  	p1 =	sge.u32 s12, s5  }
0x1d: {  	s15 =	sand.u32 @!p1 $0x1FFFFFF, s10  }
0x1e: {  	s16 =	smulhi.u32 @!p1 $0x147AE15, s15;
	_ =	sdelay $0x1  }
0x1f: {  	s16 =	smul.u32 @!p1 $0xC8, s16  }
0x20: {  	s17 =	sxor.u32 @!p1 $0xFFFFFFFF, s12;
	s18 =	smul.u32 @!p1 $0xC80, s11  }
0x21: {  	s31 =	sadd.s32 $0xFFFFFFFF, s12;
	s17 =	sshll.u32 @!p1 s17, $0xD;
	s15 =	ssub.s32 @!p1 s15, s16  }
0x22: {  	s16 =	sand.u32 @!p1 $0x2000, s17;
	s17 =	sadd.s32 @!p1 s6, s18;
	s15 =	sshll.u32 @!p1 s15, $0x4  }
0x23: {  	s18 =	simm.s32 @!p1 $0x6400;
	s15 =	sadd.s32 @!p1 s15, s17;
	s17 =	simm.s32 @!p1 $0x40  }
0x24: {  	[tilespmem:s16], [sflag:$0x1] =	stream.strided.gather @!p1 [hbm4b:s15+s17], $0x2000, s18, s17, $0x38;
	[tilespmem:$0x8080] =	vst v63  }
0x25: {  	p1 =	sge.u32 s31, s5  }
.Ltmp2:
0x26: {  	_ = 	snop;
	(pc) =	sbr.rel @p1 .LBB1_5-.Ltmp2, $1  }
0x27: {  	_ =	sdelay $0x3  }
0x28: {  	s15 =	simm.s32 $0x1  }
0x29: {  	_ =	swait.ge [sflag:s4], $0x2000;
	s15 =	simm.s32 @!p0 $0x0  }
0x2a: {  	[sflag:s4] =	ssyncset.done $0x0;
	s16 =	sshll.u32 s15, $0xD  }
0x2b: {  	[sflag:s4] =	ssyncadd.s32 $0xFFFFE000;
	s19 =	sor.u32 $0x20, s16  }
0x2c: {  	s15 =	smul.u32 $0x8100, s15;
	v3 =	vld [tilespmem:s19+$0x10]  }
0x2d: {  	s30 =	sand.u32 $0x1, s12;
	v2 =	vld [tilespmem:s19+$0xFFFFFFF0]  }
0x2e: {  	s16 =	smul.u32 $0x8100, s30;
	s15 =	sshrl.u32 s15, $0x2;
	v0 =	vld [tilespmem:s19+$0x0]  }
0x2f: {  	v1 =	vld [tilespmem:s19+$0xFFFFFFE0];
	s17 =	sor.u32 $0x4000, s15  }
0x30: {  	s31 =	sshrl.u32 s16, $0x2;
	s16 =	sadd.s32 $0x0, s17  }
0x31: {  	s18 =	simm.s32 $0x4;
	s19 =	sadd.s32 $0x40, s19;
	s15 =	sor.u32 $0x4000, s31;
	[tilespmem:s16+$0x1830 ss:$0x81] =	vst.msk $0xffff, v3  }
.LBB1_3:
0x32: {  	v3 =	vld [tilespmem:s19+$0x10];
	p1 =	sne.s32 s18, $0x1FC;
	[tilespmem:s16+$0x810 ss:$0x81] =	vst.msk $0xffff, v2;
	s20 =	smov.u32 s18;
	s18 =	sadd.s32 $0x4, s18  }
.Ltmp3:
0x33: {  	v2 =	vld [tilespmem:s19+$0xFFFFFFF0];
	[tilespmem:s16+$0x1020 ss:$0x81] =	vst.msk $0xffff, v0;
	(pc) =	sbr.rel @p1 .LBB1_3-.Ltmp3, $4  }
0x34: {  	v0 =	vld [tilespmem:s19+$0x0];
	[tilespmem:s16+$0x0 ss:$0x81] =	vst.msk $0xffff, v1  }
0x35: {  	s16 =	sshra.s32 s20, $0x2;
	v1 =	vld [tilespmem:s19+$0xFFFFFFE0]  }
0x36: {  	s16 =	sadd.s32 s16, s17  }
0x37: {  	s19 =	sadd.s32 $0x40, s19;
	[tilespmem:s16+$0x1830 ss:$0x81] =	vst.msk $0xffff, v3  }
.Ltmp4:
0x38: {  	_ = 	snop;
	(pc) =	sbr.rel .LBB1_4-.Ltmp4, $1  }
0x39: {  	_ =	sdelay $0x3  }
.LBB1_6:
0x3a: {  	_ =	sfence.sel $0x180000  }
0x3b: {  	s2 =	simm.s32 $0x1;
	[bflag:$0x0] =	sbarrier.arrive $0xFFFF  }
0x3c: {  	s31 =	simm.s32 $0x2;
	[sflag:s2] =	ssyncpa.u1 $0x1  }
0x3d: {  	[sflag:s31] =	ssyncpa.u1 $0x1  }
0x3e: {  	p0 =	sne.s32 s0, $0x0;
	_ =	strace $0x9000004D  }
0x3f: {  	s0 =	sadd.s32 @!p0 $0x100000, s1;
	[bflag:$0x2] =	sbarrier.arrive $0xFFFF  }
0x40: {  	[sflag:s0] =	ssyncadd.tile.s32 @!p0 $0x1;
	_ =	shalt  }
.Lfunc_end1:
_tile_overlayer_lowered:
.L_overlay_start_2:
0x41: {  	(tag) =	ssettag $0x2  }
0x42: {  	s0 =	rddreg [dreg:$0x0];
	s2 =	stileid.u32  }
0x43: {  	s1 =	rddreg [dreg:$0x1];
	p0 =	sne.s32 s2, $0x0  }
0x44: {  	s3 =	rddreg [dreg:$0x2];
	[bflag:$0x3] =	sbarrier.arrive $0xFFFF;
	s2 =	simm.s32 @!p0 $0x1C01  }
0x45: {  	[timem:s3], [sflag:s2] =	dma.local @!p0 [hbm:s0], s1  }
0x46: {  	s0 =	simm.s32 @!p0 $0x1  }
0x47: {  	_ =	swait.ge @!p0 [sflag:s0], s1  }
0x48: {  	s1 =	ssub.s32 @!p0 $0x0, s1;
	[sflag:s0] =	ssyncset.done @!p0 $0x0  }
0x49: {  	[sflag:s0] =	ssyncadd.s32 @!p0 s1  }
0x4a: {  	[bflag:$0x3] =	sbarrier.arrive $0xFFFF  }
0x4b: {  	_ =	shalt  }

</sc_bundles>
